<compile_context>
chip_gen: v7x
topology: tpu7x:2x2x1
jax: 0.10.2.dev20260603
libtpu: 0.0.44.dev20260713+nightly
codegen_flags: <defaults>
</compile_context>

<pallas_src>
import functools

import jax
import jax.numpy as jnp
from jax import lax
from jax.experimental import pallas as pl
from jax.experimental.pallas import tpu as pltpu
from jax.experimental.pallas import tpu_sc as plsc

VOCAB = 100000
DIM = 128
B = 16384
C = 20
NNEG = 200
NIDX = C + NNEG
HALF = NIDX // 2
SLOT = 112
CPAD = 32
NPAD = 208
L = 16
KV = DIM // L


def _lane_take(v, idx):
    dnums = lax.GatherDimensionNumbers(
        offset_dims=(), collapsed_slice_dims=(0,), start_index_map=(0,))
    return lax.gather(v, idx[:, None], dnums, (1,),
                      mode=lax.GatherScatterMode.PROMISE_IN_BOUNDS)


def _sc_workers():
    try:
        info = plsc.get_sparse_core_info()
        return info.num_cores, info.num_subcores
    except Exception:
        return 2, 16


@functools.partial(jax.jit, static_argnames=())
def kernel(target_word, context_words, negative_words, in_emb, out_emb):
    NC, NS = _sc_workers()
    NW = NC * NS
    BPW = B // NW
    CB = 64
    NCH = BPW // CB

    def pack_bf16(t):
        w = lax.bitcast_convert_type(t, jnp.uint32)
        w = w + jnp.uint32(0x7FFF) + ((w >> 16) & jnp.uint32(1))
        packed = ((w[:, :DIM // 2] >> 16)
                  | (w[:, DIM // 2:] & jnp.uint32(0xFFFF0000)))
        return lax.bitcast_convert_type(packed, jnp.int32)

    out_emb_w = pack_bf16(out_emb)

    allidx = jnp.concatenate(
        [context_words.astype(jnp.int32), negative_words.astype(jnp.int32)],
        axis=1).reshape(B, 2, HALF)
    allidx = jnp.concatenate([allidx, allidx[:, :, HALF - 2:]], axis=2)
    allidx = allidx.reshape(B * 2 * SLOT)
    tgt_idx = target_word.astype(jnp.int32)

    mesh = plsc.VectorSubcoreMesh(core_axis_name="c", subcore_axis_name="s")

    @functools.partial(
        pl.kernel,
        mesh=mesh,
        compiler_params=pltpu.CompilerParams(
            needs_layout_passes=False, use_tc_tiling_on_sc=False),
        out_type=[
            jax.ShapeDtypeStruct((B * CPAD,), jnp.float32),
            jax.ShapeDtypeStruct((B * NPAD,), jnp.float32),
        ],
        scratch_types=[
            pltpu.VMEM((CB * 2 * SLOT,), jnp.int32),
            pltpu.VMEM((CB,), jnp.int32),
            pltpu.VMEM((CB, DIM), jnp.float32),
            pltpu.VMEM((SLOT, DIM // 2), jnp.int32),
            pltpu.VMEM((SLOT, DIM // 2), jnp.int32),
            pltpu.VMEM((SLOT, DIM // 2), jnp.int32),
            pltpu.VMEM((SLOT, DIM // 2), jnp.int32),
            pltpu.VMEM((CB * CPAD,), jnp.float32),
            pltpu.VMEM((CB * NPAD,), jnp.float32),
            pltpu.SemaphoreType.DMA,
            pltpu.SemaphoreType.DMA,
            pltpu.SemaphoreType.DMA,
        ],
    )
    def run(allidx_h, tgtidx_h, inemb_h, outemb_h, ctx_o, neg_o,
            idx_v, ti_v, tg_v, ra0, ra1, rb0, rb1, sc_v, sn_v, sema, semb, tsem):
        wid = lax.axis_index("s") * NC + lax.axis_index("c")
        base_w = wid * BPW
        lanes = lax.iota(jnp.int32, L)
        lane0 = lanes == 0
        perms = [lanes ^ m for m in (8, 4, 2, 1)]

        def chunk_body(c, _):
            base = base_w + c * CB
            pltpu.sync_copy(
                allidx_h.at[pl.ds(base * 2 * SLOT, CB * 2 * SLOT)], idx_v)
            pltpu.sync_copy(tgtidx_h.at[pl.ds(base, CB)], ti_v)
            pltpu.async_copy(inemb_h.at[ti_v], tg_v, tsem).wait()

            def issue(i, r0, r1, sem):
                pltpu.async_copy(
                    outemb_h.at[idx_v.at[pl.ds(i * 2 * SLOT, SLOT)]],
                    r0, sem)
                pltpu.async_copy(
                    outemb_h.at[idx_v.at[pl.ds(i * 2 * SLOT + SLOT, SLOT)]],
                    r1, sem)

            def drain(i, r0, r1, sem):
                pltpu.make_async_copy(
                    outemb_h.at[idx_v.at[pl.ds(i * 2 * SLOT, SLOT)]],
                    r0, sem).wait()
                pltpu.make_async_copy(
                    outemb_h.at[idx_v.at[pl.ds(i * 2 * SLOT + SLOT, SLOT)]],
                    r1, sem).wait()

            def compute(i, r0v, r1v):
                tv = [plsc.pack(tg_v[i, pl.ds(k * L, L)],
                                tg_v[i, pl.ds(DIM // 2 + k * L, L)],
                                format=plsc.PackFormat.INTERLEAVED)
                      for k in range(KV // 2)]

                def dot_row(rv, r):
                    prods = [plsc.bitcast(rv[r, pl.ds(k * L, L)],
                                          jnp.bfloat16) * tv[k]
                             for k in range(KV // 2)]
                    while len(prods) > 1:
                        prods = [a + b for a, b in
                                 zip(prods[::2], prods[1::2])]
                    w = plsc.bitcast(prods[0], jnp.int32)
                    lo = plsc.bitcast(lax.shift_left(w, 16), jnp.float32)
                    hi = plsc.bitcast(w & jnp.int32(-65536), jnp.float32)
                    acc = lo + hi
                    for p in perms:
                        acc = acc + _lane_take(acc, p)
                    return acc

                def ctx_body(r):
                    sv = dot_row(r0v, r)
                    plsc.store_scatter(
                        sc_v, [jnp.full((L,), i * CPAD + r, jnp.int32)],
                        sv, mask=lane0)

                def negA_body(r):
                    sv = dot_row(r0v, r)
                    plsc.store_scatter(
                        sn_v,
                        [jnp.full((L,), i * NPAD + (r - C), jnp.int32)],
                        sv, mask=lane0)

                def negB_body(r):
                    sv = dot_row(r1v, r)
                    plsc.store_scatter(
                        sn_v,
                        [jnp.full((L,), i * NPAD + (r + HALF - C),
                                  jnp.int32)],
                        sv, mask=lane0)

                plsc.parallel_loop(0, C, unroll=4)(ctx_body)
                plsc.parallel_loop(C, HALF, unroll=6)(negA_body)
                plsc.parallel_loop(0, HALF, unroll=5)(negB_body)

            issue(0, ra0, ra1, sema)

            def pair_body(j, _):
                i0 = 2 * j
                issue(i0 + 1, rb0, rb1, semb)
                drain(i0, ra0, ra1, sema)
                compute(i0, ra0, ra1)

                @pl.when(j < CB // 2 - 1)
                def _():
                    issue(i0 + 2, ra0, ra1, sema)

                drain(i0 + 1, rb0, rb1, semb)
                compute(i0 + 1, rb0, rb1)
                return 0

            lax.fori_loop(0, CB // 2, pair_body, 0)
            pltpu.sync_copy(sc_v, ctx_o.at[pl.ds(base * CPAD, CB * CPAD)])
            pltpu.sync_copy(sn_v, neg_o.at[pl.ds(base * NPAD, CB * NPAD)])
            return 0

        lax.fori_loop(0, NCH, chunk_body, 0)

    ctx_pad, neg_pad = run(allidx, tgt_idx, in_emb, out_emb_w)
    return (ctx_pad.reshape(B, CPAD)[:, :C],
            neg_pad.reshape(B, NPAD)[:, :NNEG])

# --- scband reference (transcript-rebuilt; emitter-appended) ---
"""Pipeline reference for scband-word2-vec-model-24481313587317 (READ-ONLY COPY).

The authoritative reference and input builder live on the scoring server;
editing this copy changes nothing except your own understanding.
"""

import jax, jax.numpy as jnp
import numpy as np

VOCAB = 100000
DIM = 128
B = 16384
C = 20
NNEG = 200

def setup_inputs(seed: int = 0) -> dict:
    key = jax.random.key(seed)
    k1, k2, k3, k4, k5 = jax.random.split(key, 5)
    target_word = jax.random.randint(k1, (B,), 0, VOCAB, dtype=jnp.int64) if jax.config.jax_enable_x64 else jax.random.randint(k1, (B,), 0, VOCAB, dtype=jnp.int32)
    context_words = jax.random.randint(k2, (B, C), 0, VOCAB, dtype=jnp.int32)
    negative_words = jax.random.randint(k3, (B, NNEG), 0, VOCAB, dtype=jnp.int32)
    initrange = 0.5 / DIM
    in_emb = jax.random.uniform(k4, (VOCAB, DIM), dtype=jnp.float32, minval=-initrange, maxval=initrange)
    out_emb = jax.random.uniform(k5, (VOCAB, DIM), dtype=jnp.float32, minval=-initrange, maxval=initrange)
    return {"target_word": target_word, "context_words": context_words, "negative_words": negative_words, "in_emb": in_emb, "out_emb": out_emb}

def reference(target_word, context_words, negative_words, in_emb, out_emb):
    # in_embedding(target_word) -> [B, D]
    target_embeds = jnp.take(in_emb, target_word, axis=0)
    # out_embedding(context_words) -> [B, C, D]
    context_embeds = jnp.take(out_emb, context_words, axis=0)
    # out_embedding(negative_words) -> [B, N, D]
    negative_embeds = jnp.take(out_emb, negative_words, axis=0)
    # torch.bmm(context_embeds, target_embeds.unsqueeze(2)).squeeze(2) -> [B, C]
    context_score = jnp.einsum('bcd,bd->bc', context_embeds, target_embeds)
    # torch.bmm(negative_embeds, target_embeds.unsqueeze(2)).squeeze(2) -> [B, N]
    negative_score = jnp.einsum('bnd,bd->bn', negative_embeds, target_embeds)
    return (context_score, negative_score)

if __name__ == "__main__":
    import jax
    _d = setup_inputs()
    print(jax.jit(kernel)(*tuple(_d.values())))

</pallas_src>

<mosaic_0001>
#map = affine_map<(d0, d1) -> (0)>
#map1 = affine_map<(d0, d1) -> (0, 0)>
module attributes {stable_mosaic.version = 14 : i64} {
  func.func @run(%arg0: i32, %arg1: i32, %arg2: memref<3670016xi32, #tpu.memory_space<hbm>>, %arg3: memref<16384xi32, #tpu.memory_space<hbm>>, %arg4: memref<100000x128xf32, #tpu.memory_space<hbm>>, %arg5: memref<100000x64xi32, #tpu.memory_space<hbm>>, %arg6: memref<524288xf32, #tpu.memory_space<hbm>>, %arg7: memref<3407872xf32, #tpu.memory_space<hbm>>, %arg8: memref<14336xi32, #tpu.memory_space<vmem>>, %arg9: memref<64xi32, #tpu.memory_space<vmem>>, %arg10: memref<64x128xf32, #tpu.memory_space<vmem>>, %arg11: memref<112x64xi32, #tpu.memory_space<vmem>>, %arg12: memref<112x64xi32, #tpu.memory_space<vmem>>, %arg13: memref<112x64xi32, #tpu.memory_space<vmem>>, %arg14: memref<112x64xi32, #tpu.memory_space<vmem>>, %arg15: memref<2048xf32, #tpu.memory_space<vmem>>, %arg16: memref<13312xf32, #tpu.memory_space<vmem>>, %arg17: memref<!tpu.dma_semaphore, #tpu.memory_space<semaphore_mem>>, %arg18: memref<!tpu.dma_semaphore, #tpu.memory_space<semaphore_mem>>, %arg19: memref<!tpu.dma_semaphore, #tpu.memory_space<semaphore_mem>>) attributes {dimension_semantics = [#tpu.dimension_semantics<core_parallel>, #tpu.dimension_semantics<subcore_parallel>], iteration_bounds = array<i64: 2, 16>, scalar_prefetch = 0 : i64, scratch_operands = 12 : i64, tpu.core_type = #tpu.core_type<sc_vector_subcore>, window_params = [{transform_indices = #map}, {transform_indices = #map}, {transform_indices = #map1}, {transform_indices = #map1}, {transform_indices = #map}, {transform_indices = #map}]} {
    %mul3A = arith.constant 2 : i32
    %mul3A_0 = arith.muli %arg1, %mul3A : i32
    %add3A = arith.addi %mul3A_0, %arg0 : i32
    %mul3A_1 = arith.constant 512 : i32
    %mul3A_2 = arith.muli %add3A, %mul3A_1 : i32
    %iota3A = tpu.iota {dimensions = array<i32: 0>} : vector<16xi32>
    %eq3A = arith.constant 0 : i32
    %eq3A_3 = vector.broadcast %eq3A : i32 to vector<16xi32>
    %eq3A_4 = arith.cmpi eq, %iota3A, %eq3A_3 : vector<16xi32>
    %xor3A = arith.constant 8 : i32
    %xor3A_5 = vector.broadcast %xor3A : i32 to vector<16xi32>
    %xor3A_6 = arith.xori %iota3A, %xor3A_5 : vector<16xi32>
    %xor3A_7 = arith.constant 4 : i32
    %xor3A_8 = vector.broadcast %xor3A_7 : i32 to vector<16xi32>
    %xor3A_9 = arith.xori %iota3A, %xor3A_8 : vector<16xi32>
    %xor3A_10 = arith.constant 2 : i32
    %xor3A_11 = vector.broadcast %xor3A_10 : i32 to vector<16xi32>
    %xor3A_12 = arith.xori %iota3A, %xor3A_11 : vector<16xi32>
    %xor3A_13 = arith.constant 1 : i32
    %xor3A_14 = vector.broadcast %xor3A_13 : i32 to vector<16xi32>
    %xor3A_15 = arith.xori %iota3A, %xor3A_14 : vector<16xi32>
    %scan3A = arith.constant 0 : i32
    %scan3A_16 = arith.constant 0 : i32
    %scan3A_17 = arith.constant 8 : i32
    %scan3A_18 = arith.addi %scan3A_16, %scan3A_17 : i32
    %scan3A_19 = arith.constant 1 : i32
    %scan3A_20 = scf.for %scan3A_22 = %scan3A_16 to %scan3A_18 step %scan3A_19 iter_args(%scan3A_23 = %scan3A) -> (i32)  : i32 {
      %mul3A_24 = arith.constant 64 : i32
      %mul3A_25 = arith.muli %scan3A_22, %mul3A_24 : i32
      %add3A_26 = arith.addi %mul3A_2, %mul3A_25 : i32
      %mul3A_27 = arith.constant 2 : i32
      %mul3A_28 = arith.muli %add3A_26, %mul3A_27 : i32
      %mul3A_29 = arith.constant 112 : i32
      %mul3A_30 = arith.muli %mul3A_28, %mul3A_29 : i32
      "tpu.region"() ({
        %run_scoped3A = tpu.sem_alloc : memref<!tpu.dma_semaphore, #tpu.memory_space<semaphore_mem>>
        %dma_start3A_57 = tpu.memref_slice %arg2[%mul3A_30] : memref<3670016xi32, #tpu.memory_space<hbm>> -> memref<14336xi32, #tpu.memory_space<hbm>>
        %dma_start3A_58 = tpu.memref_slice %arg2[%mul3A_30] : memref<3670016xi32, #tpu.memory_space<hbm>> -> memref<14336xi32, #tpu.memory_space<hbm>>
        tpu.enqueue_dma source(%dma_start3A_58 : memref<14336xi32, #tpu.memory_space<hbm>>) target(%arg8 : memref<14336xi32, #tpu.memory_space<vmem>>) target_semaphore(%run_scoped3A : memref<!tpu.dma_semaphore, #tpu.memory_space<semaphore_mem>>)
        %dma_wait3A_59 = tpu.memref_slice %arg2[%mul3A_30] : memref<3670016xi32, #tpu.memory_space<hbm>> -> memref<14336xi32, #tpu.memory_space<hbm>>
        %dma_wait3A_60 = tpu.memref_slice %arg2[%mul3A_30] : memref<3670016xi32, #tpu.memory_space<hbm>> -> memref<14336xi32, #tpu.memory_space<hbm>>
        tpu.wait_dma2 semaphore(%run_scoped3A : memref<!tpu.dma_semaphore, #tpu.memory_space<semaphore_mem>>) src(%dma_wait3A_60 : memref<14336xi32, #tpu.memory_space<hbm>>) dst(%arg8 : memref<14336xi32, #tpu.memory_space<vmem>>)
        tpu.yield
      }) : () -> ()
      "tpu.region"() ({
        %run_scoped3A = tpu.sem_alloc : memref<!tpu.dma_semaphore, #tpu.memory_space<semaphore_mem>>
        %dma_start3A_57 = tpu.memref_slice %arg3[%add3A_26] : memref<16384xi32, #tpu.memory_space<hbm>> -> memref<64xi32, #tpu.memory_space<hbm>>
        %dma_start3A_58 = tpu.memref_slice %arg3[%add3A_26] : memref<16384xi32, #tpu.memory_space<hbm>> -> memref<64xi32, #tpu.memory_space<hbm>>
        tpu.enqueue_dma source(%dma_start3A_58 : memref<64xi32, #tpu.memory_space<hbm>>) target(%arg9 : memref<64xi32, #tpu.memory_space<vmem>>) target_semaphore(%run_scoped3A : memref<!tpu.dma_semaphore, #tpu.memory_space<semaphore_mem>>)
        %dma_wait3A_59 = tpu.memref_slice %arg3[%add3A_26] : memref<16384xi32, #tpu.memory_space<hbm>> -> memref<64xi32, #tpu.memory_space<hbm>>
        %dma_wait3A_60 = tpu.memref_slice %arg3[%add3A_26] : memref<16384xi32, #tpu.memory_space<hbm>> -> memref<64xi32, #tpu.memory_space<hbm>>
        tpu.wait_dma2 semaphore(%run_scoped3A : memref<!tpu.dma_semaphore, #tpu.memory_space<semaphore_mem>>) src(%dma_wait3A_60 : memref<64xi32, #tpu.memory_space<hbm>>) dst(%arg9 : memref<64xi32, #tpu.memory_space<vmem>>)
        tpu.yield
      }) : () -> ()
      %dma_start3A = arith.constant 0 : i32
      %dma_start3A_31 = arith.constant 0 : i32
      %dma_start3A_32 = tpu.memref_slice %arg4[%dma_start3A, %dma_start3A_31] : memref<100000x128xf32, #tpu.memory_space<hbm>> -> memref<100000x128xf32, #tpu.memory_space<hbm>>
      tpu.enqueue_indirect_dma source(%dma_start3A_32 : memref<100000x128xf32, #tpu.memory_space<hbm>>) target(%arg10 : memref<64x128xf32, #tpu.memory_space<vmem>>) offsets(%arg9 : memref<64xi32, #tpu.memory_space<vmem>>) semaphore(%arg19 : memref<!tpu.dma_semaphore, #tpu.memory_space<semaphore_mem>>)
      %dma_wait3A = arith.constant 0 : i32
      %dma_wait3A_33 = arith.constant 0 : i32
      %dma_wait3A_34 = tpu.memref_slice %arg4[%dma_wait3A, %dma_wait3A_33] : memref<100000x128xf32, #tpu.memory_space<hbm>> -> memref<100000x128xf32, #tpu.memory_space<hbm>>
      tpu.wait_indirect_dma semaphore(%arg19 : memref<!tpu.dma_semaphore, #tpu.memory_space<semaphore_mem>>) src(%dma_wait3A_34 : memref<100000x128xf32, #tpu.memory_space<hbm>>) dst(%arg10 : memref<64x128xf32, #tpu.memory_space<vmem>>)
      %dma_start3A_35 = arith.constant 0 : i32
      %dma_start3A_36 = tpu.memref_slice %arg8[%dma_start3A_35] : memref<14336xi32, #tpu.memory_space<vmem>> -> memref<112xi32, #tpu.memory_space<vmem>>
      %dma_start3A_37 = arith.constant 0 : i32
      %dma_start3A_38 = arith.constant 0 : i32
      %dma_start3A_39 = tpu.memref_slice %arg5[%dma_start3A_37, %dma_start3A_38] : memref<100000x64xi32, #tpu.memory_space<hbm>> -> memref<100000x64xi32, #tpu.memory_space<hbm>>
      tpu.enqueue_indirect_dma source(%dma_start3A_39 : memref<100000x64xi32, #tpu.memory_space<hbm>>) target(%arg11 : memref<112x64xi32, #tpu.memory_space<vmem>>) offsets(%dma_start3A_36 : memref<112xi32, #tpu.memory_space<vmem>>) semaphore(%arg17 : memref<!tpu.dma_semaphore, #tpu.memory_space<semaphore_mem>>)
      %dma_start3A_40 = arith.constant 112 : i32
      %dma_start3A_41 = tpu.memref_slice %arg8[%dma_start3A_40] : memref<14336xi32, #tpu.memory_space<vmem>> -> memref<112xi32, #tpu.memory_space<vmem>>
      %dma_start3A_42 = arith.constant 0 : i32
      %dma_start3A_43 = arith.constant 0 : i32
      %dma_start3A_44 = tpu.memref_slice %arg5[%dma_start3A_42, %dma_start3A_43] : memref<100000x64xi32, #tpu.memory_space<hbm>> -> memref<100000x64xi32, #tpu.memory_space<hbm>>
      tpu.enqueue_indirect_dma source(%dma_start3A_44 : memref<100000x64xi32, #tpu.memory_space<hbm>>) target(%arg12 : memref<112x64xi32, #tpu.memory_space<vmem>>) offsets(%dma_start3A_41 : memref<112xi32, #tpu.memory_space<vmem>>) semaphore(%arg17 : memref<!tpu.dma_semaphore, #tpu.memory_space<semaphore_mem>>)
      %scan3A_45 = arith.constant 0 : i32
      %scan3A_46 = arith.constant 0 : i32
      %scan3A_47 = arith.constant 32 : i32
      %scan3A_48 = arith.addi %scan3A_46, %scan3A_47 : i32
      %scan3A_49 = arith.constant 1 : i32
      %scan3A_50 = scf.for %scan3A_57 = %scan3A_46 to %scan3A_48 step %scan3A_49 iter_args(%scan3A_58 = %scan3A_45) -> (i32)  : i32 {
        %mul3A_59 = arith.constant 2 : i32
        %mul3A_60 = arith.muli %mul3A_59, %scan3A_57 : i32
        %add3A_61 = arith.constant 1 : i32
        %add3A_62 = arith.addi %mul3A_60, %add3A_61 : i32
        %mul3A_63 = arith.constant 2 : i32
        %mul3A_64 = arith.muli %add3A_62, %mul3A_63 : i32
        %mul3A_65 = arith.constant 112 : i32
        %mul3A_66 = arith.muli %mul3A_64, %mul3A_65 : i32
        %dma_start3A_67 = tpu.memref_slice %arg8[%mul3A_66] : memref<14336xi32, #tpu.memory_space<vmem>> -> memref<112xi32, #tpu.memory_space<vmem>>
        %dma_start3A_68 = arith.constant 0 : i32
        %dma_start3A_69 = arith.constant 0 : i32
        %dma_start3A_70 = tpu.memref_slice %arg5[%dma_start3A_68, %dma_start3A_69] : memref<100000x64xi32, #tpu.memory_space<hbm>> -> memref<100000x64xi32, #tpu.memory_space<hbm>>
        tpu.enqueue_indirect_dma source(%dma_start3A_70 : memref<100000x64xi32, #tpu.memory_space<hbm>>) target(%arg13 : memref<112x64xi32, #tpu.memory_space<vmem>>) offsets(%dma_start3A_67 : memref<112xi32, #tpu.memory_space<vmem>>) semaphore(%arg18 : memref<!tpu.dma_semaphore, #tpu.memory_space<semaphore_mem>>)
        %mul3A_71 = arith.constant 2 : i32
        %mul3A_72 = arith.muli %add3A_62, %mul3A_71 : i32
        %mul3A_73 = arith.constant 112 : i32
        %mul3A_74 = arith.muli %mul3A_72, %mul3A_73 : i32
        %add3A_75 = arith.constant 112 : i32
        %add3A_76 = arith.addi %mul3A_74, %add3A_75 : i32
        %dma_start3A_77 = tpu.memref_slice %arg8[%add3A_76] : memref<14336xi32, #tpu.memory_space<vmem>> -> memref<112xi32, #tpu.memory_space<vmem>>
        %dma_start3A_78 = arith.constant 0 : i32
        %dma_start3A_79 = arith.constant 0 : i32
        %dma_start3A_80 = tpu.memref_slice %arg5[%dma_start3A_78, %dma_start3A_79] : memref<100000x64xi32, #tpu.memory_space<hbm>> -> memref<100000x64xi32, #tpu.memory_space<hbm>>
        tpu.enqueue_indirect_dma source(%dma_start3A_80 : memref<100000x64xi32, #tpu.memory_space<hbm>>) target(%arg14 : memref<112x64xi32, #tpu.memory_space<vmem>>) offsets(%dma_start3A_77 : memref<112xi32, #tpu.memory_space<vmem>>) semaphore(%arg18 : memref<!tpu.dma_semaphore, #tpu.memory_space<semaphore_mem>>)
        %mul3A_81 = arith.constant 2 : i32
        %mul3A_82 = arith.muli %mul3A_60, %mul3A_81 : i32
        %mul3A_83 = arith.constant 112 : i32
        %mul3A_84 = arith.muli %mul3A_82, %mul3A_83 : i32
        %dma_wait3A_85 = tpu.memref_slice %arg8[%mul3A_84] : memref<14336xi32, #tpu.memory_space<vmem>> -> memref<112xi32, #tpu.memory_space<vmem>>
        %dma_wait3A_86 = arith.constant 0 : i32
        %dma_wait3A_87 = arith.constant 0 : i32
        %dma_wait3A_88 = tpu.memref_slice %arg5[%dma_wait3A_86, %dma_wait3A_87] : memref<100000x64xi32, #tpu.memory_space<hbm>> -> memref<100000x64xi32, #tpu.memory_space<hbm>>
        tpu.wait_indirect_dma semaphore(%arg17 : memref<!tpu.dma_semaphore, #tpu.memory_space<semaphore_mem>>) src(%dma_wait3A_88 : memref<100000x64xi32, #tpu.memory_space<hbm>>) dst(%arg11 : memref<112x64xi32, #tpu.memory_space<vmem>>)
        %mul3A_89 = arith.constant 2 : i32
        %mul3A_90 = arith.muli %mul3A_60, %mul3A_89 : i32
        %mul3A_91 = arith.constant 112 : i32
        %mul3A_92 = arith.muli %mul3A_90, %mul3A_91 : i32
        %add3A_93 = arith.constant 112 : i32
        %add3A_94 = arith.addi %mul3A_92, %add3A_93 : i32
        %dma_wait3A_95 = tpu.memref_slice %arg8[%add3A_94] : memref<14336xi32, #tpu.memory_space<vmem>> -> memref<112xi32, #tpu.memory_space<vmem>>
        %dma_wait3A_96 = arith.constant 0 : i32
        %dma_wait3A_97 = arith.constant 0 : i32
        %dma_wait3A_98 = tpu.memref_slice %arg5[%dma_wait3A_96, %dma_wait3A_97] : memref<100000x64xi32, #tpu.memory_space<hbm>> -> memref<100000x64xi32, #tpu.memory_space<hbm>>
        tpu.wait_indirect_dma semaphore(%arg17 : memref<!tpu.dma_semaphore, #tpu.memory_space<semaphore_mem>>) src(%dma_wait3A_98 : memref<100000x64xi32, #tpu.memory_space<hbm>>) dst(%arg12 : memref<112x64xi32, #tpu.memory_space<vmem>>)
        %get3A = arith.index_cast %mul3A_60 : i32 to index
        %get3A_99 = arith.constant 0 : index
        %get3A_100 = tpu.vector_load %arg10[%get3A, %get3A_99] {strides = array<i32>} : memref<64x128xf32, #tpu.memory_space<vmem>>, vector<16xf32>,
        %get3A_101 = arith.index_cast %mul3A_60 : i32 to index
        %get3A_102 = arith.constant 64 : index
        %get3A_103 = tpu.vector_load %arg10[%get3A_101, %get3A_102] {strides = array<i32>} : memref<64x128xf32, #tpu.memory_space<vmem>>, vector<16xf32>,
        %pack3A = tpu.pack_subelements %get3A_100, %get3A_103 {pack_format = #tpu.pack_format<interleaved>, positions = array<i32: 0, 1>} : vector<16xf32>, vector<16xf32> -> vector<32xbf16>
        %get3A_104 = arith.index_cast %mul3A_60 : i32 to index
        %get3A_105 = arith.constant 16 : index
        %get3A_106 = tpu.vector_load %arg10[%get3A_104, %get3A_105] {strides = array<i32>} : memref<64x128xf32, #tpu.memory_space<vmem>>, vector<16xf32>,
        %get3A_107 = arith.index_cast %mul3A_60 : i32 to index
        %get3A_108 = arith.constant 80 : index
        %get3A_109 = tpu.vector_load %arg10[%get3A_107, %get3A_108] {strides = array<i32>} : memref<64x128xf32, #tpu.memory_space<vmem>>, vector<16xf32>,
        %pack3A_110 = tpu.pack_subelements %get3A_106, %get3A_109 {pack_format = #tpu.pack_format<interleaved>, positions = array<i32: 0, 1>} : vector<16xf32>, vector<16xf32> -> vector<32xbf16>
        %get3A_111 = arith.index_cast %mul3A_60 : i32 to index
        %get3A_112 = arith.constant 32 : index
        %get3A_113 = tpu.vector_load %arg10[%get3A_111, %get3A_112] {strides = array<i32>} : memref<64x128xf32, #tpu.memory_space<vmem>>, vector<16xf32>,
        %get3A_114 = arith.index_cast %mul3A_60 : i32 to index
        %get3A_115 = arith.constant 96 : index
        %get3A_116 = tpu.vector_load %arg10[%get3A_114, %get3A_115] {strides = array<i32>} : memref<64x128xf32, #tpu.memory_space<vmem>>, vector<16xf32>,
        %pack3A_117 = tpu.pack_subelements %get3A_113, %get3A_116 {pack_format = #tpu.pack_format<interleaved>, positions = array<i32: 0, 1>} : vector<16xf32>, vector<16xf32> -> vector<32xbf16>
        %get3A_118 = arith.index_cast %mul3A_60 : i32 to index
        %get3A_119 = arith.constant 48 : index
        %get3A_120 = tpu.vector_load %arg10[%get3A_118, %get3A_119] {strides = array<i32>} : memref<64x128xf32, #tpu.memory_space<vmem>>, vector<16xf32>,
        %get3A_121 = arith.index_cast %mul3A_60 : i32 to index
        %get3A_122 = arith.constant 112 : index
        %get3A_123 = tpu.vector_load %arg10[%get3A_121, %get3A_122] {strides = array<i32>} : memref<64x128xf32, #tpu.memory_space<vmem>>, vector<16xf32>,
        %pack3A_124 = tpu.pack_subelements %get3A_120, %get3A_123 {pack_format = #tpu.pack_format<interleaved>, positions = array<i32: 0, 1>} : vector<16xf32>, vector<16xf32> -> vector<32xbf16>
        %parallel_loop3A = arith.constant 0 : i32
        %parallel_loop3A_125 = arith.constant 20 : i32
        %parallel_loop3A_126 = arith.constant 1 : i32
        scf.for %parallel_loop3A_195 = %parallel_loop3A to %parallel_loop3A_125 step %parallel_loop3A_126  : i32 {
          %parallel_loop3A_196 = arith.index_cast %parallel_loop3A_195 : i32 to index
          %parallel_loop3A_197 = arith.constant 0 : index
          %parallel_loop3A_198 = tpu.vector_load %arg11[%parallel_loop3A_196, %parallel_loop3A_197] {strides = array<i32>} : memref<112x64xi32, #tpu.memory_space<vmem>>, vector<16xi32>,
          %parallel_loop3A_199 = vector.bitcast %parallel_loop3A_198 : vector<16xi32> to vector<32xbf16>
          %parallel_loop3A_200 = arith.mulf %parallel_loop3A_199, %pack3A : vector<32xbf16>
          %parallel_loop3A_201 = arith.index_cast %parallel_loop3A_195 : i32 to index
          %parallel_loop3A_202 = arith.constant 16 : index
          %parallel_loop3A_203 = tpu.vector_load %arg11[%parallel_loop3A_201, %parallel_loop3A_202] {strides = array<i32>} : memref<112x64xi32, #tpu.memory_space<vmem>>, vector<16xi32>,
          %parallel_loop3A_204 = vector.bitcast %parallel_loop3A_203 : vector<16xi32> to vector<32xbf16>
          %parallel_loop3A_205 = arith.mulf %parallel_loop3A_204, %pack3A_110 : vector<32xbf16>
          %parallel_loop3A_206 = arith.index_cast %parallel_loop3A_195 : i32 to index
          %parallel_loop3A_207 = arith.constant 32 : index
          %parallel_loop3A_208 = tpu.vector_load %arg11[%parallel_loop3A_206, %parallel_loop3A_207] {strides = array<i32>} : memref<112x64xi32, #tpu.memory_space<vmem>>, vector<16xi32>,
          %parallel_loop3A_209 = vector.bitcast %parallel_loop3A_208 : vector<16xi32> to vector<32xbf16>
          %parallel_loop3A_210 = arith.mulf %parallel_loop3A_209, %pack3A_117 : vector<32xbf16>
          %parallel_loop3A_211 = arith.index_cast %parallel_loop3A_195 : i32 to index
          %parallel_loop3A_212 = arith.constant 48 : index
          %parallel_loop3A_213 = tpu.vector_load %arg11[%parallel_loop3A_211, %parallel_loop3A_212] {strides = array<i32>} : memref<112x64xi32, #tpu.memory_space<vmem>>, vector<16xi32>,
          %parallel_loop3A_214 = vector.bitcast %parallel_loop3A_213 : vector<16xi32> to vector<32xbf16>
          %parallel_loop3A_215 = arith.mulf %parallel_loop3A_214, %pack3A_124 : vector<32xbf16>
          %parallel_loop3A_216 = arith.addf %parallel_loop3A_200, %parallel_loop3A_205 : vector<32xbf16>
          %parallel_loop3A_217 = arith.addf %parallel_loop3A_210, %parallel_loop3A_215 : vector<32xbf16>
          %parallel_loop3A_218 = arith.addf %parallel_loop3A_216, %parallel_loop3A_217 : vector<32xbf16>
          %parallel_loop3A_219 = vector.bitcast %parallel_loop3A_218 : vector<32xbf16> to vector<16xi32>
          %parallel_loop3A_220 = arith.constant 16 : i32
          %parallel_loop3A_221 = vector.broadcast %parallel_loop3A_220 : i32 to vector<16xi32>
          %parallel_loop3A_222 = arith.shli %parallel_loop3A_219, %parallel_loop3A_221 : vector<16xi32>
          %parallel_loop3A_223 = vector.bitcast %parallel_loop3A_222 : vector<16xi32> to vector<16xf32>
          %parallel_loop3A_224 = arith.constant -65536 : i32
          %parallel_loop3A_225 = vector.broadcast %parallel_loop3A_224 : i32 to vector<16xi32>
          %parallel_loop3A_226 = arith.andi %parallel_loop3A_219, %parallel_loop3A_225 : vector<16xi32>
          %parallel_loop3A_227 = vector.bitcast %parallel_loop3A_226 : vector<16xi32> to vector<16xf32>
          %parallel_loop3A_228 = arith.addf %parallel_loop3A_223, %parallel_loop3A_227 : vector<16xf32>
          %parallel_loop3A_229 = vector.shape_cast %xor3A_6 : vector<16xi32> to vector<16x1xi32>
          %parallel_loop3A_230 = vector.shape_cast %parallel_loop3A_229 : vector<16x1xi32> to vector<16xi32>
          %parallel_loop3A_231 = tpu.dynamic_gather %parallel_loop3A_228[%parallel_loop3A_230] in [0] : vector<16xf32>, vector<16xi32> -> vector<16xf32>
          %parallel_loop3A_232 = arith.addf %parallel_loop3A_228, %parallel_loop3A_231 : vector<16xf32>
          %parallel_loop3A_233 = vector.shape_cast %xor3A_9 : vector<16xi32> to vector<16x1xi32>
          %parallel_loop3A_234 = vector.shape_cast %parallel_loop3A_233 : vector<16x1xi32> to vector<16xi32>
          %parallel_loop3A_235 = tpu.dynamic_gather %parallel_loop3A_232[%parallel_loop3A_234] in [0] : vector<16xf32>, vector<16xi32> -> vector<16xf32>
          %parallel_loop3A_236 = arith.addf %parallel_loop3A_232, %parallel_loop3A_235 : vector<16xf32>
          %parallel_loop3A_237 = vector.shape_cast %xor3A_12 : vector<16xi32> to vector<16x1xi32>
          %parallel_loop3A_238 = vector.shape_cast %parallel_loop3A_237 : vector<16x1xi32> to vector<16xi32>
          %parallel_loop3A_239 = tpu.dynamic_gather %parallel_loop3A_236[%parallel_loop3A_238] in [0] : vector<16xf32>, vector<16xi32> -> vector<16xf32>
          %parallel_loop3A_240 = arith.addf %parallel_loop3A_236, %parallel_loop3A_239 : vector<16xf32>
          %parallel_loop3A_241 = vector.shape_cast %xor3A_15 : vector<16xi32> to vector<16x1xi32>
          %parallel_loop3A_242 = vector.shape_cast %parallel_loop3A_241 : vector<16x1xi32> to vector<16xi32>
          %parallel_loop3A_243 = tpu.dynamic_gather %parallel_loop3A_240[%parallel_loop3A_242] in [0] : vector<16xf32>, vector<16xi32> -> vector<16xf32>
          %parallel_loop3A_244 = arith.addf %parallel_loop3A_240, %parallel_loop3A_243 : vector<16xf32>
          %parallel_loop3A_245 = arith.constant 32 : i32
          %parallel_loop3A_246 = arith.muli %mul3A_60, %parallel_loop3A_245 : i32
          %parallel_loop3A_247 = arith.addi %parallel_loop3A_246, %parallel_loop3A_195 : i32
          %parallel_loop3A_248 = vector.broadcast %parallel_loop3A_247 : i32 to vector<16xi32>
          tpu.vector_store_idx %arg15[%parallel_loop3A_248], %parallel_loop3A_244 masked %eq3A_4 : memref<2048xf32, #tpu.memory_space<vmem>>[vector<16xi32>], vector<16xf32>, vector<16xi1>
        } {sc.loop_unroll_factor = 4 : i64, sc.parallel_access}
        %parallel_loop3A_127 = arith.constant 20 : i32
        %parallel_loop3A_128 = arith.constant 110 : i32
        %parallel_loop3A_129 = arith.constant 1 : i32
        scf.for %parallel_loop3A_195 = %parallel_loop3A_127 to %parallel_loop3A_128 step %parallel_loop3A_129  : i32 {
          %parallel_loop3A_196 = arith.index_cast %parallel_loop3A_195 : i32 to index
          %parallel_loop3A_197 = arith.constant 0 : index
          %parallel_loop3A_198 = tpu.vector_load %arg11[%parallel_loop3A_196, %parallel_loop3A_197] {strides = array<i32>} : memref<112x64xi32, #tpu.memory_space<vmem>>, vector<16xi32>,
          %parallel_loop3A_199 = vector.bitcast %parallel_loop3A_198 : vector<16xi32> to vector<32xbf16>
          %parallel_loop3A_200 = arith.mulf %parallel_loop3A_199, %pack3A : vector<32xbf16>
          %parallel_loop3A_201 = arith.index_cast %parallel_loop3A_195 : i32 to index
          %parallel_loop3A_202 = arith.constant 16 : index
          %parallel_loop3A_203 = tpu.vector_load %arg11[%parallel_loop3A_201, %parallel_loop3A_202] {strides = array<i32>} : memref<112x64xi32, #tpu.memory_space<vmem>>, vector<16xi32>,
          %parallel_loop3A_204 = vector.bitcast %parallel_loop3A_203 : vector<16xi32> to vector<32xbf16>
          %parallel_loop3A_205 = arith.mulf %parallel_loop3A_204, %pack3A_110 : vector<32xbf16>
          %parallel_loop3A_206 = arith.index_cast %parallel_loop3A_195 : i32 to index
          %parallel_loop3A_207 = arith.constant 32 : index
          %parallel_loop3A_208 = tpu.vector_load %arg11[%parallel_loop3A_206, %parallel_loop3A_207] {strides = array<i32>} : memref<112x64xi32, #tpu.memory_space<vmem>>, vector<16xi32>,
          %parallel_loop3A_209 = vector.bitcast %parallel_loop3A_208 : vector<16xi32> to vector<32xbf16>
          %parallel_loop3A_210 = arith.mulf %parallel_loop3A_209, %pack3A_117 : vector<32xbf16>
          %parallel_loop3A_211 = arith.index_cast %parallel_loop3A_195 : i32 to index
          %parallel_loop3A_212 = arith.constant 48 : index
          %parallel_loop3A_213 = tpu.vector_load %arg11[%parallel_loop3A_211, %parallel_loop3A_212] {strides = array<i32>} : memref<112x64xi32, #tpu.memory_space<vmem>>, vector<16xi32>,
          %parallel_loop3A_214 = vector.bitcast %parallel_loop3A_213 : vector<16xi32> to vector<32xbf16>
          %parallel_loop3A_215 = arith.mulf %parallel_loop3A_214, %pack3A_124 : vector<32xbf16>
          %parallel_loop3A_216 = arith.addf %parallel_loop3A_200, %parallel_loop3A_205 : vector<32xbf16>
          %parallel_loop3A_217 = arith.addf %parallel_loop3A_210, %parallel_loop3A_215 : vector<32xbf16>
          %parallel_loop3A_218 = arith.addf %parallel_loop3A_216, %parallel_loop3A_217 : vector<32xbf16>
          %parallel_loop3A_219 = vector.bitcast %parallel_loop3A_218 : vector<32xbf16> to vector<16xi32>
          %parallel_loop3A_220 = arith.constant 16 : i32
          %parallel_loop3A_221 = vector.broadcast %parallel_loop3A_220 : i32 to vector<16xi32>
          %parallel_loop3A_222 = arith.shli %parallel_loop3A_219, %parallel_loop3A_221 : vector<16xi32>
          %parallel_loop3A_223 = vector.bitcast %parallel_loop3A_222 : vector<16xi32> to vector<16xf32>
          %parallel_loop3A_224 = arith.constant -65536 : i32
          %parallel_loop3A_225 = vector.broadcast %parallel_loop3A_224 : i32 to vector<16xi32>
          %parallel_loop3A_226 = arith.andi %parallel_loop3A_219, %parallel_loop3A_225 : vector<16xi32>
          %parallel_loop3A_227 = vector.bitcast %parallel_loop3A_226 : vector<16xi32> to vector<16xf32>
          %parallel_loop3A_228 = arith.addf %parallel_loop3A_223, %parallel_loop3A_227 : vector<16xf32>
          %parallel_loop3A_229 = vector.shape_cast %xor3A_6 : vector<16xi32> to vector<16x1xi32>
          %parallel_loop3A_230 = vector.shape_cast %parallel_loop3A_229 : vector<16x1xi32> to vector<16xi32>
          %parallel_loop3A_231 = tpu.dynamic_gather %parallel_loop3A_228[%parallel_loop3A_230] in [0] : vector<16xf32>, vector<16xi32> -> vector<16xf32>
          %parallel_loop3A_232 = arith.addf %parallel_loop3A_228, %parallel_loop3A_231 : vector<16xf32>
          %parallel_loop3A_233 = vector.shape_cast %xor3A_9 : vector<16xi32> to vector<16x1xi32>
          %parallel_loop3A_234 = vector.shape_cast %parallel_loop3A_233 : vector<16x1xi32> to vector<16xi32>
          %parallel_loop3A_235 = tpu.dynamic_gather %parallel_loop3A_232[%parallel_loop3A_234] in [0] : vector<16xf32>, vector<16xi32> -> vector<16xf32>
          %parallel_loop3A_236 = arith.addf %parallel_loop3A_232, %parallel_loop3A_235 : vector<16xf32>
          %parallel_loop3A_237 = vector.shape_cast %xor3A_12 : vector<16xi32> to vector<16x1xi32>
          %parallel_loop3A_238 = vector.shape_cast %parallel_loop3A_237 : vector<16x1xi32> to vector<16xi32>
          %parallel_loop3A_239 = tpu.dynamic_gather %parallel_loop3A_236[%parallel_loop3A_238] in [0] : vector<16xf32>, vector<16xi32> -> vector<16xf32>
          %parallel_loop3A_240 = arith.addf %parallel_loop3A_236, %parallel_loop3A_239 : vector<16xf32>
          %parallel_loop3A_241 = vector.shape_cast %xor3A_15 : vector<16xi32> to vector<16x1xi32>
          %parallel_loop3A_242 = vector.shape_cast %parallel_loop3A_241 : vector<16x1xi32> to vector<16xi32>
          %parallel_loop3A_243 = tpu.dynamic_gather %parallel_loop3A_240[%parallel_loop3A_242] in [0] : vector<16xf32>, vector<16xi32> -> vector<16xf32>
          %parallel_loop3A_244 = arith.addf %parallel_loop3A_240, %parallel_loop3A_243 : vector<16xf32>
          %parallel_loop3A_245 = arith.constant 208 : i32
          %parallel_loop3A_246 = arith.muli %mul3A_60, %parallel_loop3A_245 : i32
          %parallel_loop3A_247 = arith.constant 20 : i32
          %parallel_loop3A_248 = arith.subi %parallel_loop3A_195, %parallel_loop3A_247 : i32
          %parallel_loop3A_249 = arith.addi %parallel_loop3A_246, %parallel_loop3A_248 : i32
          %parallel_loop3A_250 = vector.broadcast %parallel_loop3A_249 : i32 to vector<16xi32>
          tpu.vector_store_idx %arg16[%parallel_loop3A_250], %parallel_loop3A_244 masked %eq3A_4 : memref<13312xf32, #tpu.memory_space<vmem>>[vector<16xi32>], vector<16xf32>, vector<16xi1>
        } {sc.loop_unroll_factor = 6 : i64, sc.parallel_access}
        %parallel_loop3A_130 = arith.constant 0 : i32
        %parallel_loop3A_131 = arith.constant 110 : i32
        %parallel_loop3A_132 = arith.constant 1 : i32
        scf.for %parallel_loop3A_195 = %parallel_loop3A_130 to %parallel_loop3A_131 step %parallel_loop3A_132  : i32 {
          %parallel_loop3A_196 = arith.index_cast %parallel_loop3A_195 : i32 to index
          %parallel_loop3A_197 = arith.constant 0 : index
          %parallel_loop3A_198 = tpu.vector_load %arg12[%parallel_loop3A_196, %parallel_loop3A_197] {strides = array<i32>} : memref<112x64xi32, #tpu.memory_space<vmem>>, vector<16xi32>,
          %parallel_loop3A_199 = vector.bitcast %parallel_loop3A_198 : vector<16xi32> to vector<32xbf16>
          %parallel_loop3A_200 = arith.mulf %parallel_loop3A_199, %pack3A : vector<32xbf16>
          %parallel_loop3A_201 = arith.index_cast %parallel_loop3A_195 : i32 to index
          %parallel_loop3A_202 = arith.constant 16 : index
          %parallel_loop3A_203 = tpu.vector_load %arg12[%parallel_loop3A_201, %parallel_loop3A_202] {strides = array<i32>} : memref<112x64xi32, #tpu.memory_space<vmem>>, vector<16xi32>,
          %parallel_loop3A_204 = vector.bitcast %parallel_loop3A_203 : vector<16xi32> to vector<32xbf16>
          %parallel_loop3A_205 = arith.mulf %parallel_loop3A_204, %pack3A_110 : vector<32xbf16>
          %parallel_loop3A_206 = arith.index_cast %parallel_loop3A_195 : i32 to index
          %parallel_loop3A_207 = arith.constant 32 : index
          %parallel_loop3A_208 = tpu.vector_load %arg12[%parallel_loop3A_206, %parallel_loop3A_207] {strides = array<i32>} : memref<112x64xi32, #tpu.memory_space<vmem>>, vector<16xi32>,
          %parallel_loop3A_209 = vector.bitcast %parallel_loop3A_208 : vector<16xi32> to vector<32xbf16>
          %parallel_loop3A_210 = arith.mulf %parallel_loop3A_209, %pack3A_117 : vector<32xbf16>
          %parallel_loop3A_211 = arith.index_cast %parallel_loop3A_195 : i32 to index
          %parallel_loop3A_212 = arith.constant 48 : index
          %parallel_loop3A_213 = tpu.vector_load %arg12[%parallel_loop3A_211, %parallel_loop3A_212] {strides = array<i32>} : memref<112x64xi32, #tpu.memory_space<vmem>>, vector<16xi32>,
          %parallel_loop3A_214 = vector.bitcast %parallel_loop3A_213 : vector<16xi32> to vector<32xbf16>
          %parallel_loop3A_215 = arith.mulf %parallel_loop3A_214, %pack3A_124 : vector<32xbf16>
          %parallel_loop3A_216 = arith.addf %parallel_loop3A_200, %parallel_loop3A_205 : vector<32xbf16>
          %parallel_loop3A_217 = arith.addf %parallel_loop3A_210, %parallel_loop3A_215 : vector<32xbf16>
          %parallel_loop3A_218 = arith.addf %parallel_loop3A_216, %parallel_loop3A_217 : vector<32xbf16>
          %parallel_loop3A_219 = vector.bitcast %parallel_loop3A_218 : vector<32xbf16> to vector<16xi32>
          %parallel_loop3A_220 = arith.constant 16 : i32
          %parallel_loop3A_221 = vector.broadcast %parallel_loop3A_220 : i32 to vector<16xi32>
          %parallel_loop3A_222 = arith.shli %parallel_loop3A_219, %parallel_loop3A_221 : vector<16xi32>
          %parallel_loop3A_223 = vector.bitcast %parallel_loop3A_222 : vector<16xi32> to vector<16xf32>
          %parallel_loop3A_224 = arith.constant -65536 : i32
          %parallel_loop3A_225 = vector.broadcast %parallel_loop3A_224 : i32 to vector<16xi32>
          %parallel_loop3A_226 = arith.andi %parallel_loop3A_219, %parallel_loop3A_225 : vector<16xi32>
          %parallel_loop3A_227 = vector.bitcast %parallel_loop3A_226 : vector<16xi32> to vector<16xf32>
          %parallel_loop3A_228 = arith.addf %parallel_loop3A_223, %parallel_loop3A_227 : vector<16xf32>
          %parallel_loop3A_229 = vector.shape_cast %xor3A_6 : vector<16xi32> to vector<16x1xi32>
          %parallel_loop3A_230 = vector.shape_cast %parallel_loop3A_229 : vector<16x1xi32> to vector<16xi32>
          %parallel_loop3A_231 = tpu.dynamic_gather %parallel_loop3A_228[%parallel_loop3A_230] in [0] : vector<16xf32>, vector<16xi32> -> vector<16xf32>
          %parallel_loop3A_232 = arith.addf %parallel_loop3A_228, %parallel_loop3A_231 : vector<16xf32>
          %parallel_loop3A_233 = vector.shape_cast %xor3A_9 : vector<16xi32> to vector<16x1xi32>
          %parallel_loop3A_234 = vector.shape_cast %parallel_loop3A_233 : vector<16x1xi32> to vector<16xi32>
          %parallel_loop3A_235 = tpu.dynamic_gather %parallel_loop3A_232[%parallel_loop3A_234] in [0] : vector<16xf32>, vector<16xi32> -> vector<16xf32>
          %parallel_loop3A_236 = arith.addf %parallel_loop3A_232, %parallel_loop3A_235 : vector<16xf32>
          %parallel_loop3A_237 = vector.shape_cast %xor3A_12 : vector<16xi32> to vector<16x1xi32>
          %parallel_loop3A_238 = vector.shape_cast %parallel_loop3A_237 : vector<16x1xi32> to vector<16xi32>
          %parallel_loop3A_239 = tpu.dynamic_gather %parallel_loop3A_236[%parallel_loop3A_238] in [0] : vector<16xf32>, vector<16xi32> -> vector<16xf32>
          %parallel_loop3A_240 = arith.addf %parallel_loop3A_236, %parallel_loop3A_239 : vector<16xf32>
          %parallel_loop3A_241 = vector.shape_cast %xor3A_15 : vector<16xi32> to vector<16x1xi32>
          %parallel_loop3A_242 = vector.shape_cast %parallel_loop3A_241 : vector<16x1xi32> to vector<16xi32>
          %parallel_loop3A_243 = tpu.dynamic_gather %parallel_loop3A_240[%parallel_loop3A_242] in [0] : vector<16xf32>, vector<16xi32> -> vector<16xf32>
          %parallel_loop3A_244 = arith.addf %parallel_loop3A_240, %parallel_loop3A_243 : vector<16xf32>
          %parallel_loop3A_245 = arith.constant 208 : i32
          %parallel_loop3A_246 = arith.muli %mul3A_60, %parallel_loop3A_245 : i32
          %parallel_loop3A_247 = arith.constant 110 : i32
          %parallel_loop3A_248 = arith.addi %parallel_loop3A_195, %parallel_loop3A_247 : i32
          %parallel_loop3A_249 = arith.constant 20 : i32
          %parallel_loop3A_250 = arith.subi %parallel_loop3A_248, %parallel_loop3A_249 : i32
          %parallel_loop3A_251 = arith.addi %parallel_loop3A_246, %parallel_loop3A_250 : i32
          %parallel_loop3A_252 = vector.broadcast %parallel_loop3A_251 : i32 to vector<16xi32>
          tpu.vector_store_idx %arg16[%parallel_loop3A_252], %parallel_loop3A_244 masked %eq3A_4 : memref<13312xf32, #tpu.memory_space<vmem>>[vector<16xi32>], vector<16xf32>, vector<16xi1>
        } {sc.loop_unroll_factor = 5 : i64, sc.parallel_access}
        %lt3A = arith.constant 31 : i32
        %lt3A_133 = arith.cmpi slt, %scan3A_57, %lt3A : i32
        %convert_element_type3A = arith.extui %lt3A_133 : i1 to i32
        %cond3A = arith.constant 0 : i32
        %cond3A_134 = arith.cmpi ne, %convert_element_type3A, %cond3A : i32
        scf.if %cond3A_134 {
          %add3A_195 = arith.constant 2 : i32
          %add3A_196 = arith.addi %mul3A_60, %add3A_195 : i32
          %mul3A_197 = arith.constant 2 : i32
          %mul3A_198 = arith.muli %add3A_196, %mul3A_197 : i32
          %mul3A_199 = arith.constant 112 : i32
          %mul3A_200 = arith.muli %mul3A_198, %mul3A_199 : i32
          %dma_start3A_201 = tpu.memref_slice %arg8[%mul3A_200] : memref<14336xi32, #tpu.memory_space<vmem>> -> memref<112xi32, #tpu.memory_space<vmem>>
          %dma_start3A_202 = arith.constant 0 : i32
          %dma_start3A_203 = arith.constant 0 : i32
          %dma_start3A_204 = tpu.memref_slice %arg5[%dma_start3A_202, %dma_start3A_203] : memref<100000x64xi32, #tpu.memory_space<hbm>> -> memref<100000x64xi32, #tpu.memory_space<hbm>>
          tpu.enqueue_indirect_dma source(%dma_start3A_204 : memref<100000x64xi32, #tpu.memory_space<hbm>>) target(%arg11 : memref<112x64xi32, #tpu.memory_space<vmem>>) offsets(%dma_start3A_201 : memref<112xi32, #tpu.memory_space<vmem>>) semaphore(%arg17 : memref<!tpu.dma_semaphore, #tpu.memory_space<semaphore_mem>>)
          %mul3A_205 = arith.constant 2 : i32
          %mul3A_206 = arith.muli %add3A_196, %mul3A_205 : i32
          %mul3A_207 = arith.constant 112 : i32
          %mul3A_208 = arith.muli %mul3A_206, %mul3A_207 : i32
          %add3A_209 = arith.constant 112 : i32
          %add3A_210 = arith.addi %mul3A_208, %add3A_209 : i32
          %dma_start3A_211 = tpu.memref_slice %arg8[%add3A_210] : memref<14336xi32, #tpu.memory_space<vmem>> -> memref<112xi32, #tpu.memory_space<vmem>>
          %dma_start3A_212 = arith.constant 0 : i32
          %dma_start3A_213 = arith.constant 0 : i32
          %dma_start3A_214 = tpu.memref_slice %arg5[%dma_start3A_212, %dma_start3A_213] : memref<100000x64xi32, #tpu.memory_space<hbm>> -> memref<100000x64xi32, #tpu.memory_space<hbm>>
          tpu.enqueue_indirect_dma source(%dma_start3A_214 : memref<100000x64xi32, #tpu.memory_space<hbm>>) target(%arg12 : memref<112x64xi32, #tpu.memory_space<vmem>>) offsets(%dma_start3A_211 : memref<112xi32, #tpu.memory_space<vmem>>) semaphore(%arg17 : memref<!tpu.dma_semaphore, #tpu.memory_space<semaphore_mem>>)
        } else {
        }
        %add3A_135 = arith.constant 1 : i32
        %add3A_136 = arith.addi %mul3A_60, %add3A_135 : i32
        %mul3A_137 = arith.constant 2 : i32
        %mul3A_138 = arith.muli %add3A_136, %mul3A_137 : i32
        %mul3A_139 = arith.constant 112 : i32
        %mul3A_140 = arith.muli %mul3A_138, %mul3A_139 : i32
        %dma_wait3A_141 = tpu.memref_slice %arg8[%mul3A_140] : memref<14336xi32, #tpu.memory_space<vmem>> -> memref<112xi32, #tpu.memory_space<vmem>>
        %dma_wait3A_142 = arith.constant 0 : i32
        %dma_wait3A_143 = arith.constant 0 : i32
        %dma_wait3A_144 = tpu.memref_slice %arg5[%dma_wait3A_142, %dma_wait3A_143] : memref<100000x64xi32, #tpu.memory_space<hbm>> -> memref<100000x64xi32, #tpu.memory_space<hbm>>
        tpu.wait_indirect_dma semaphore(%arg18 : memref<!tpu.dma_semaphore, #tpu.memory_space<semaphore_mem>>) src(%dma_wait3A_144 : memref<100000x64xi32, #tpu.memory_space<hbm>>) dst(%arg13 : memref<112x64xi32, #tpu.memory_space<vmem>>)
        %mul3A_145 = arith.constant 2 : i32
        %mul3A_146 = arith.muli %add3A_136, %mul3A_145 : i32
        %mul3A_147 = arith.constant 112 : i32
        %mul3A_148 = arith.muli %mul3A_146, %mul3A_147 : i32
        %add3A_149 = arith.constant 112 : i32
        %add3A_150 = arith.addi %mul3A_148, %add3A_149 : i32
        %dma_wait3A_151 = tpu.memref_slice %arg8[%add3A_150] : memref<14336xi32, #tpu.memory_space<vmem>> -> memref<112xi32, #tpu.memory_space<vmem>>
        %dma_wait3A_152 = arith.constant 0 : i32
        %dma_wait3A_153 = arith.constant 0 : i32
        %dma_wait3A_154 = tpu.memref_slice %arg5[%dma_wait3A_152, %dma_wait3A_153] : memref<100000x64xi32, #tpu.memory_space<hbm>> -> memref<100000x64xi32, #tpu.memory_space<hbm>>
        tpu.wait_indirect_dma semaphore(%arg18 : memref<!tpu.dma_semaphore, #tpu.memory_space<semaphore_mem>>) src(%dma_wait3A_154 : memref<100000x64xi32, #tpu.memory_space<hbm>>) dst(%arg14 : memref<112x64xi32, #tpu.memory_space<vmem>>)
        %add3A_155 = arith.constant 1 : i32
        %add3A_156 = arith.addi %mul3A_60, %add3A_155 : i32
        %get3A_157 = arith.index_cast %add3A_156 : i32 to index
        %get3A_158 = arith.constant 0 : index
        %get3A_159 = tpu.vector_load %arg10[%get3A_157, %get3A_158] {strides = array<i32>} : memref<64x128xf32, #tpu.memory_space<vmem>>, vector<16xf32>,
        %get3A_160 = arith.index_cast %add3A_156 : i32 to index
        %get3A_161 = arith.constant 64 : index
        %get3A_162 = tpu.vector_load %arg10[%get3A_160, %get3A_161] {strides = array<i32>} : memref<64x128xf32, #tpu.memory_space<vmem>>, vector<16xf32>,
        %pack3A_163 = tpu.pack_subelements %get3A_159, %get3A_162 {pack_format = #tpu.pack_format<interleaved>, positions = array<i32: 0, 1>} : vector<16xf32>, vector<16xf32> -> vector<32xbf16>
        %get3A_164 = arith.index_cast %add3A_156 : i32 to index
        %get3A_165 = arith.constant 16 : index
        %get3A_166 = tpu.vector_load %arg10[%get3A_164, %get3A_165] {strides = array<i32>} : memref<64x128xf32, #tpu.memory_space<vmem>>, vector<16xf32>,
        %get3A_167 = arith.index_cast %add3A_156 : i32 to index
        %get3A_168 = arith.constant 80 : index
        %get3A_169 = tpu.vector_load %arg10[%get3A_167, %get3A_168] {strides = array<i32>} : memref<64x128xf32, #tpu.memory_space<vmem>>, vector<16xf32>,
        %pack3A_170 = tpu.pack_subelements %get3A_166, %get3A_169 {pack_format = #tpu.pack_format<interleaved>, positions = array<i32: 0, 1>} : vector<16xf32>, vector<16xf32> -> vector<32xbf16>
        %get3A_171 = arith.index_cast %add3A_156 : i32 to index
        %get3A_172 = arith.constant 32 : index
        %get3A_173 = tpu.vector_load %arg10[%get3A_171, %get3A_172] {strides = array<i32>} : memref<64x128xf32, #tpu.memory_space<vmem>>, vector<16xf32>,
        %get3A_174 = arith.index_cast %add3A_156 : i32 to index
        %get3A_175 = arith.constant 96 : index
        %get3A_176 = tpu.vector_load %arg10[%get3A_174, %get3A_175] {strides = array<i32>} : memref<64x128xf32, #tpu.memory_space<vmem>>, vector<16xf32>,
        %pack3A_177 = tpu.pack_subelements %get3A_173, %get3A_176 {pack_format = #tpu.pack_format<interleaved>, positions = array<i32: 0, 1>} : vector<16xf32>, vector<16xf32> -> vector<32xbf16>
        %get3A_178 = arith.index_cast %add3A_156 : i32 to index
        %get3A_179 = arith.constant 48 : index
        %get3A_180 = tpu.vector_load %arg10[%get3A_178, %get3A_179] {strides = array<i32>} : memref<64x128xf32, #tpu.memory_space<vmem>>, vector<16xf32>,
        %get3A_181 = arith.index_cast %add3A_156 : i32 to index
        %get3A_182 = arith.constant 112 : index
        %get3A_183 = tpu.vector_load %arg10[%get3A_181, %get3A_182] {strides = array<i32>} : memref<64x128xf32, #tpu.memory_space<vmem>>, vector<16xf32>,
        %pack3A_184 = tpu.pack_subelements %get3A_180, %get3A_183 {pack_format = #tpu.pack_format<interleaved>, positions = array<i32: 0, 1>} : vector<16xf32>, vector<16xf32> -> vector<32xbf16>
        %parallel_loop3A_185 = arith.constant 0 : i32
        %parallel_loop3A_186 = arith.constant 20 : i32
        %parallel_loop3A_187 = arith.constant 1 : i32
        scf.for %parallel_loop3A_195 = %parallel_loop3A_185 to %parallel_loop3A_186 step %parallel_loop3A_187  : i32 {
          %parallel_loop3A_196 = arith.index_cast %parallel_loop3A_195 : i32 to index
          %parallel_loop3A_197 = arith.constant 0 : index
          %parallel_loop3A_198 = tpu.vector_load %arg13[%parallel_loop3A_196, %parallel_loop3A_197] {strides = array<i32>} : memref<112x64xi32, #tpu.memory_space<vmem>>, vector<16xi32>,
          %parallel_loop3A_199 = vector.bitcast %parallel_loop3A_198 : vector<16xi32> to vector<32xbf16>
          %parallel_loop3A_200 = arith.mulf %parallel_loop3A_199, %pack3A_163 : vector<32xbf16>
          %parallel_loop3A_201 = arith.index_cast %parallel_loop3A_195 : i32 to index
          %parallel_loop3A_202 = arith.constant 16 : index
          %parallel_loop3A_203 = tpu.vector_load %arg13[%parallel_loop3A_201, %parallel_loop3A_202] {strides = array<i32>} : memref<112x64xi32, #tpu.memory_space<vmem>>, vector<16xi32>,
          %parallel_loop3A_204 = vector.bitcast %parallel_loop3A_203 : vector<16xi32> to vector<32xbf16>
          %parallel_loop3A_205 = arith.mulf %parallel_loop3A_204, %pack3A_170 : vector<32xbf16>
          %parallel_loop3A_206 = arith.index_cast %parallel_loop3A_195 : i32 to index
          %parallel_loop3A_207 = arith.constant 32 : index
          %parallel_loop3A_208 = tpu.vector_load %arg13[%parallel_loop3A_206, %parallel_loop3A_207] {strides = array<i32>} : memref<112x64xi32, #tpu.memory_space<vmem>>, vector<16xi32>,
          %parallel_loop3A_209 = vector.bitcast %parallel_loop3A_208 : vector<16xi32> to vector<32xbf16>
          %parallel_loop3A_210 = arith.mulf %parallel_loop3A_209, %pack3A_177 : vector<32xbf16>
          %parallel_loop3A_211 = arith.index_cast %parallel_loop3A_195 : i32 to index
          %parallel_loop3A_212 = arith.constant 48 : index
          %parallel_loop3A_213 = tpu.vector_load %arg13[%parallel_loop3A_211, %parallel_loop3A_212] {strides = array<i32>} : memref<112x64xi32, #tpu.memory_space<vmem>>, vector<16xi32>,
          %parallel_loop3A_214 = vector.bitcast %parallel_loop3A_213 : vector<16xi32> to vector<32xbf16>
          %parallel_loop3A_215 = arith.mulf %parallel_loop3A_214, %pack3A_184 : vector<32xbf16>
          %parallel_loop3A_216 = arith.addf %parallel_loop3A_200, %parallel_loop3A_205 : vector<32xbf16>
          %parallel_loop3A_217 = arith.addf %parallel_loop3A_210, %parallel_loop3A_215 : vector<32xbf16>
          %parallel_loop3A_218 = arith.addf %parallel_loop3A_216, %parallel_loop3A_217 : vector<32xbf16>
          %parallel_loop3A_219 = vector.bitcast %parallel_loop3A_218 : vector<32xbf16> to vector<16xi32>
          %parallel_loop3A_220 = arith.constant 16 : i32
          %parallel_loop3A_221 = vector.broadcast %parallel_loop3A_220 : i32 to vector<16xi32>
          %parallel_loop3A_222 = arith.shli %parallel_loop3A_219, %parallel_loop3A_221 : vector<16xi32>
          %parallel_loop3A_223 = vector.bitcast %parallel_loop3A_222 : vector<16xi32> to vector<16xf32>
          %parallel_loop3A_224 = arith.constant -65536 : i32
          %parallel_loop3A_225 = vector.broadcast %parallel_loop3A_224 : i32 to vector<16xi32>
          %parallel_loop3A_226 = arith.andi %parallel_loop3A_219, %parallel_loop3A_225 : vector<16xi32>
          %parallel_loop3A_227 = vector.bitcast %parallel_loop3A_226 : vector<16xi32> to vector<16xf32>
          %parallel_loop3A_228 = arith.addf %parallel_loop3A_223, %parallel_loop3A_227 : vector<16xf32>
          %parallel_loop3A_229 = vector.shape_cast %xor3A_6 : vector<16xi32> to vector<16x1xi32>
          %parallel_loop3A_230 = vector.shape_cast %parallel_loop3A_229 : vector<16x1xi32> to vector<16xi32>
          %parallel_loop3A_231 = tpu.dynamic_gather %parallel_loop3A_228[%parallel_loop3A_230] in [0] : vector<16xf32>, vector<16xi32> -> vector<16xf32>
          %parallel_loop3A_232 = arith.addf %parallel_loop3A_228, %parallel_loop3A_231 : vector<16xf32>
          %parallel_loop3A_233 = vector.shape_cast %xor3A_9 : vector<16xi32> to vector<16x1xi32>
          %parallel_loop3A_234 = vector.shape_cast %parallel_loop3A_233 : vector<16x1xi32> to vector<16xi32>
          %parallel_loop3A_235 = tpu.dynamic_gather %parallel_loop3A_232[%parallel_loop3A_234] in [0] : vector<16xf32>, vector<16xi32> -> vector<16xf32>
          %parallel_loop3A_236 = arith.addf %parallel_loop3A_232, %parallel_loop3A_235 : vector<16xf32>
          %parallel_loop3A_237 = vector.shape_cast %xor3A_12 : vector<16xi32> to vector<16x1xi32>
          %parallel_loop3A_238 = vector.shape_cast %parallel_loop3A_237 : vector<16x1xi32> to vector<16xi32>
          %parallel_loop3A_239 = tpu.dynamic_gather %parallel_loop3A_236[%parallel_loop3A_238] in [0] : vector<16xf32>, vector<16xi32> -> vector<16xf32>
          %parallel_loop3A_240 = arith.addf %parallel_loop3A_236, %parallel_loop3A_239 : vector<16xf32>
          %parallel_loop3A_241 = vector.shape_cast %xor3A_15 : vector<16xi32> to vector<16x1xi32>
          %parallel_loop3A_242 = vector.shape_cast %parallel_loop3A_241 : vector<16x1xi32> to vector<16xi32>
          %parallel_loop3A_243 = tpu.dynamic_gather %parallel_loop3A_240[%parallel_loop3A_242] in [0] : vector<16xf32>, vector<16xi32> -> vector<16xf32>
          %parallel_loop3A_244 = arith.addf %parallel_loop3A_240, %parallel_loop3A_243 : vector<16xf32>
          %parallel_loop3A_245 = arith.constant 32 : i32
          %parallel_loop3A_246 = arith.muli %add3A_156, %parallel_loop3A_245 : i32
          %parallel_loop3A_247 = arith.addi %parallel_loop3A_246, %parallel_loop3A_195 : i32
          %parallel_loop3A_248 = vector.broadcast %parallel_loop3A_247 : i32 to vector<16xi32>
          tpu.vector_store_idx %arg15[%parallel_loop3A_248], %parallel_loop3A_244 masked %eq3A_4 : memref<2048xf32, #tpu.memory_space<vmem>>[vector<16xi32>], vector<16xf32>, vector<16xi1>
        } {sc.loop_unroll_factor = 4 : i64, sc.parallel_access}
        %parallel_loop3A_188 = arith.constant 20 : i32
        %parallel_loop3A_189 = arith.constant 110 : i32
        %parallel_loop3A_190 = arith.constant 1 : i32
        scf.for %parallel_loop3A_195 = %parallel_loop3A_188 to %parallel_loop3A_189 step %parallel_loop3A_190  : i32 {
          %parallel_loop3A_196 = arith.index_cast %parallel_loop3A_195 : i32 to index
          %parallel_loop3A_197 = arith.constant 0 : index
          %parallel_loop3A_198 = tpu.vector_load %arg13[%parallel_loop3A_196, %parallel_loop3A_197] {strides = array<i32>} : memref<112x64xi32, #tpu.memory_space<vmem>>, vector<16xi32>,
          %parallel_loop3A_199 = vector.bitcast %parallel_loop3A_198 : vector<16xi32> to vector<32xbf16>
          %parallel_loop3A_200 = arith.mulf %parallel_loop3A_199, %pack3A_163 : vector<32xbf16>
          %parallel_loop3A_201 = arith.index_cast %parallel_loop3A_195 : i32 to index
          %parallel_loop3A_202 = arith.constant 16 : index
          %parallel_loop3A_203 = tpu.vector_load %arg13[%parallel_loop3A_201, %parallel_loop3A_202] {strides = array<i32>} : memref<112x64xi32, #tpu.memory_space<vmem>>, vector<16xi32>,
          %parallel_loop3A_204 = vector.bitcast %parallel_loop3A_203 : vector<16xi32> to vector<32xbf16>
          %parallel_loop3A_205 = arith.mulf %parallel_loop3A_204, %pack3A_170 : vector<32xbf16>
          %parallel_loop3A_206 = arith.index_cast %parallel_loop3A_195 : i32 to index
          %parallel_loop3A_207 = arith.constant 32 : index
          %parallel_loop3A_208 = tpu.vector_load %arg13[%parallel_loop3A_206, %parallel_loop3A_207] {strides = array<i32>} : memref<112x64xi32, #tpu.memory_space<vmem>>, vector<16xi32>,
          %parallel_loop3A_209 = vector.bitcast %parallel_loop3A_208 : vector<16xi32> to vector<32xbf16>
          %parallel_loop3A_210 = arith.mulf %parallel_loop3A_209, %pack3A_177 : vector<32xbf16>
          %parallel_loop3A_211 = arith.index_cast %parallel_loop3A_195 : i32 to index
          %parallel_loop3A_212 = arith.constant 48 : index
          %parallel_loop3A_213 = tpu.vector_load %arg13[%parallel_loop3A_211, %parallel_loop3A_212] {strides = array<i32>} : memref<112x64xi32, #tpu.memory_space<vmem>>, vector<16xi32>,
          %parallel_loop3A_214 = vector.bitcast %parallel_loop3A_213 : vector<16xi32> to vector<32xbf16>
          %parallel_loop3A_215 = arith.mulf %parallel_loop3A_214, %pack3A_184 : vector<32xbf16>
          %parallel_loop3A_216 = arith.addf %parallel_loop3A_200, %parallel_loop3A_205 : vector<32xbf16>
          %parallel_loop3A_217 = arith.addf %parallel_loop3A_210, %parallel_loop3A_215 : vector<32xbf16>
          %parallel_loop3A_218 = arith.addf %parallel_loop3A_216, %parallel_loop3A_217 : vector<32xbf16>
          %parallel_loop3A_219 = vector.bitcast %parallel_loop3A_218 : vector<32xbf16> to vector<16xi32>
          %parallel_loop3A_220 = arith.constant 16 : i32
          %parallel_loop3A_221 = vector.broadcast %parallel_loop3A_220 : i32 to vector<16xi32>
          %parallel_loop3A_222 = arith.shli %parallel_loop3A_219, %parallel_loop3A_221 : vector<16xi32>
          %parallel_loop3A_223 = vector.bitcast %parallel_loop3A_222 : vector<16xi32> to vector<16xf32>
          %parallel_loop3A_224 = arith.constant -65536 : i32
          %parallel_loop3A_225 = vector.broadcast %parallel_loop3A_224 : i32 to vector<16xi32>
          %parallel_loop3A_226 = arith.andi %parallel_loop3A_219, %parallel_loop3A_225 : vector<16xi32>
          %parallel_loop3A_227 = vector.bitcast %parallel_loop3A_226 : vector<16xi32> to vector<16xf32>
          %parallel_loop3A_228 = arith.addf %parallel_loop3A_223, %parallel_loop3A_227 : vector<16xf32>
          %parallel_loop3A_229 = vector.shape_cast %xor3A_6 : vector<16xi32> to vector<16x1xi32>
          %parallel_loop3A_230 = vector.shape_cast %parallel_loop3A_229 : vector<16x1xi32> to vector<16xi32>
          %parallel_loop3A_231 = tpu.dynamic_gather %parallel_loop3A_228[%parallel_loop3A_230] in [0] : vector<16xf32>, vector<16xi32> -> vector<16xf32>
          %parallel_loop3A_232 = arith.addf %parallel_loop3A_228, %parallel_loop3A_231 : vector<16xf32>
          %parallel_loop3A_233 = vector.shape_cast %xor3A_9 : vector<16xi32> to vector<16x1xi32>
          %parallel_loop3A_234 = vector.shape_cast %parallel_loop3A_233 : vector<16x1xi32> to vector<16xi32>
          %parallel_loop3A_235 = tpu.dynamic_gather %parallel_loop3A_232[%parallel_loop3A_234] in [0] : vector<16xf32>, vector<16xi32> -> vector<16xf32>
          %parallel_loop3A_236 = arith.addf %parallel_loop3A_232, %parallel_loop3A_235 : vector<16xf32>
          %parallel_loop3A_237 = vector.shape_cast %xor3A_12 : vector<16xi32> to vector<16x1xi32>
          %parallel_loop3A_238 = vector.shape_cast %parallel_loop3A_237 : vector<16x1xi32> to vector<16xi32>
          %parallel_loop3A_239 = tpu.dynamic_gather %parallel_loop3A_236[%parallel_loop3A_238] in [0] : vector<16xf32>, vector<16xi32> -> vector<16xf32>
          %parallel_loop3A_240 = arith.addf %parallel_loop3A_236, %parallel_loop3A_239 : vector<16xf32>
          %parallel_loop3A_241 = vector.shape_cast %xor3A_15 : vector<16xi32> to vector<16x1xi32>
          %parallel_loop3A_242 = vector.shape_cast %parallel_loop3A_241 : vector<16x1xi32> to vector<16xi32>
          %parallel_loop3A_243 = tpu.dynamic_gather %parallel_loop3A_240[%parallel_loop3A_242] in [0] : vector<16xf32>, vector<16xi32> -> vector<16xf32>
          %parallel_loop3A_244 = arith.addf %parallel_loop3A_240, %parallel_loop3A_243 : vector<16xf32>
          %parallel_loop3A_245 = arith.constant 208 : i32
          %parallel_loop3A_246 = arith.muli %add3A_156, %parallel_loop3A_245 : i32
          %parallel_loop3A_247 = arith.constant 20 : i32
          %parallel_loop3A_248 = arith.subi %parallel_loop3A_195, %parallel_loop3A_247 : i32
          %parallel_loop3A_249 = arith.addi %parallel_loop3A_246, %parallel_loop3A_248 : i32
          %parallel_loop3A_250 = vector.broadcast %parallel_loop3A_249 : i32 to vector<16xi32>
          tpu.vector_store_idx %arg16[%parallel_loop3A_250], %parallel_loop3A_244 masked %eq3A_4 : memref<13312xf32, #tpu.memory_space<vmem>>[vector<16xi32>], vector<16xf32>, vector<16xi1>
        } {sc.loop_unroll_factor = 6 : i64, sc.parallel_access}
        %parallel_loop3A_191 = arith.constant 0 : i32
        %parallel_loop3A_192 = arith.constant 110 : i32
        %parallel_loop3A_193 = arith.constant 1 : i32
        scf.for %parallel_loop3A_195 = %parallel_loop3A_191 to %parallel_loop3A_192 step %parallel_loop3A_193  : i32 {
          %parallel_loop3A_196 = arith.index_cast %parallel_loop3A_195 : i32 to index
          %parallel_loop3A_197 = arith.constant 0 : index
          %parallel_loop3A_198 = tpu.vector_load %arg14[%parallel_loop3A_196, %parallel_loop3A_197] {strides = array<i32>} : memref<112x64xi32, #tpu.memory_space<vmem>>, vector<16xi32>,
          %parallel_loop3A_199 = vector.bitcast %parallel_loop3A_198 : vector<16xi32> to vector<32xbf16>
          %parallel_loop3A_200 = arith.mulf %parallel_loop3A_199, %pack3A_163 : vector<32xbf16>
          %parallel_loop3A_201 = arith.index_cast %parallel_loop3A_195 : i32 to index
          %parallel_loop3A_202 = arith.constant 16 : index
          %parallel_loop3A_203 = tpu.vector_load %arg14[%parallel_loop3A_201, %parallel_loop3A_202] {strides = array<i32>} : memref<112x64xi32, #tpu.memory_space<vmem>>, vector<16xi32>,
          %parallel_loop3A_204 = vector.bitcast %parallel_loop3A_203 : vector<16xi32> to vector<32xbf16>
          %parallel_loop3A_205 = arith.mulf %parallel_loop3A_204, %pack3A_170 : vector<32xbf16>
          %parallel_loop3A_206 = arith.index_cast %parallel_loop3A_195 : i32 to index
          %parallel_loop3A_207 = arith.constant 32 : index
          %parallel_loop3A_208 = tpu.vector_load %arg14[%parallel_loop3A_206, %parallel_loop3A_207] {strides = array<i32>} : memref<112x64xi32, #tpu.memory_space<vmem>>, vector<16xi32>,
          %parallel_loop3A_209 = vector.bitcast %parallel_loop3A_208 : vector<16xi32> to vector<32xbf16>
          %parallel_loop3A_210 = arith.mulf %parallel_loop3A_209, %pack3A_177 : vector<32xbf16>
          %parallel_loop3A_211 = arith.index_cast %parallel_loop3A_195 : i32 to index
          %parallel_loop3A_212 = arith.constant 48 : index
          %parallel_loop3A_213 = tpu.vector_load %arg14[%parallel_loop3A_211, %parallel_loop3A_212] {strides = array<i32>} : memref<112x64xi32, #tpu.memory_space<vmem>>, vector<16xi32>,
          %parallel_loop3A_214 = vector.bitcast %parallel_loop3A_213 : vector<16xi32> to vector<32xbf16>
          %parallel_loop3A_215 = arith.mulf %parallel_loop3A_214, %pack3A_184 : vector<32xbf16>
          %parallel_loop3A_216 = arith.addf %parallel_loop3A_200, %parallel_loop3A_205 : vector<32xbf16>
          %parallel_loop3A_217 = arith.addf %parallel_loop3A_210, %parallel_loop3A_215 : vector<32xbf16>
          %parallel_loop3A_218 = arith.addf %parallel_loop3A_216, %parallel_loop3A_217 : vector<32xbf16>
          %parallel_loop3A_219 = vector.bitcast %parallel_loop3A_218 : vector<32xbf16> to vector<16xi32>
          %parallel_loop3A_220 = arith.constant 16 : i32
          %parallel_loop3A_221 = vector.broadcast %parallel_loop3A_220 : i32 to vector<16xi32>
          %parallel_loop3A_222 = arith.shli %parallel_loop3A_219, %parallel_loop3A_221 : vector<16xi32>
          %parallel_loop3A_223 = vector.bitcast %parallel_loop3A_222 : vector<16xi32> to vector<16xf32>
          %parallel_loop3A_224 = arith.constant -65536 : i32
          %parallel_loop3A_225 = vector.broadcast %parallel_loop3A_224 : i32 to vector<16xi32>
          %parallel_loop3A_226 = arith.andi %parallel_loop3A_219, %parallel_loop3A_225 : vector<16xi32>
          %parallel_loop3A_227 = vector.bitcast %parallel_loop3A_226 : vector<16xi32> to vector<16xf32>
          %parallel_loop3A_228 = arith.addf %parallel_loop3A_223, %parallel_loop3A_227 : vector<16xf32>
          %parallel_loop3A_229 = vector.shape_cast %xor3A_6 : vector<16xi32> to vector<16x1xi32>
          %parallel_loop3A_230 = vector.shape_cast %parallel_loop3A_229 : vector<16x1xi32> to vector<16xi32>
          %parallel_loop3A_231 = tpu.dynamic_gather %parallel_loop3A_228[%parallel_loop3A_230] in [0] : vector<16xf32>, vector<16xi32> -> vector<16xf32>
          %parallel_loop3A_232 = arith.addf %parallel_loop3A_228, %parallel_loop3A_231 : vector<16xf32>
          %parallel_loop3A_233 = vector.shape_cast %xor3A_9 : vector<16xi32> to vector<16x1xi32>
          %parallel_loop3A_234 = vector.shape_cast %parallel_loop3A_233 : vector<16x1xi32> to vector<16xi32>
          %parallel_loop3A_235 = tpu.dynamic_gather %parallel_loop3A_232[%parallel_loop3A_234] in [0] : vector<16xf32>, vector<16xi32> -> vector<16xf32>
          %parallel_loop3A_236 = arith.addf %parallel_loop3A_232, %parallel_loop3A_235 : vector<16xf32>
          %parallel_loop3A_237 = vector.shape_cast %xor3A_12 : vector<16xi32> to vector<16x1xi32>
          %parallel_loop3A_238 = vector.shape_cast %parallel_loop3A_237 : vector<16x1xi32> to vector<16xi32>
          %parallel_loop3A_239 = tpu.dynamic_gather %parallel_loop3A_236[%parallel_loop3A_238] in [0] : vector<16xf32>, vector<16xi32> -> vector<16xf32>
          %parallel_loop3A_240 = arith.addf %parallel_loop3A_236, %parallel_loop3A_239 : vector<16xf32>
          %parallel_loop3A_241 = vector.shape_cast %xor3A_15 : vector<16xi32> to vector<16x1xi32>
          %parallel_loop3A_242 = vector.shape_cast %parallel_loop3A_241 : vector<16x1xi32> to vector<16xi32>
          %parallel_loop3A_243 = tpu.dynamic_gather %parallel_loop3A_240[%parallel_loop3A_242] in [0] : vector<16xf32>, vector<16xi32> -> vector<16xf32>
          %parallel_loop3A_244 = arith.addf %parallel_loop3A_240, %parallel_loop3A_243 : vector<16xf32>
          %parallel_loop3A_245 = arith.constant 208 : i32
          %parallel_loop3A_246 = arith.muli %add3A_156, %parallel_loop3A_245 : i32
          %parallel_loop3A_247 = arith.constant 110 : i32
          %parallel_loop3A_248 = arith.addi %parallel_loop3A_195, %parallel_loop3A_247 : i32
          %parallel_loop3A_249 = arith.constant 20 : i32
          %parallel_loop3A_250 = arith.subi %parallel_loop3A_248, %parallel_loop3A_249 : i32
          %parallel_loop3A_251 = arith.addi %parallel_loop3A_246, %parallel_loop3A_250 : i32
          %parallel_loop3A_252 = vector.broadcast %parallel_loop3A_251 : i32 to vector<16xi32>
          tpu.vector_store_idx %arg16[%parallel_loop3A_252], %parallel_loop3A_244 masked %eq3A_4 : memref<13312xf32, #tpu.memory_space<vmem>>[vector<16xi32>], vector<16xf32>, vector<16xi1>
        } {sc.loop_unroll_factor = 5 : i64, sc.parallel_access}
        %scan3A_194 = arith.constant 0 : i32
        scf.yield %scan3A_194 : i32
      }
      %scan3A_51 = arith.constant 32 : i32
      %mul3A_52 = arith.constant 32 : i32
      %mul3A_53 = arith.muli %add3A_26, %mul3A_52 : i32
      "tpu.region"() ({
        %run_scoped3A = tpu.sem_alloc : memref<!tpu.dma_semaphore, #tpu.memory_space<semaphore_mem>>
        %dma_start3A_57 = tpu.memref_slice %arg6[%mul3A_53] : memref<524288xf32, #tpu.memory_space<hbm>> -> memref<2048xf32, #tpu.memory_space<hbm>>
        %dma_start3A_58 = tpu.memref_slice %arg6[%mul3A_53] : memref<524288xf32, #tpu.memory_space<hbm>> -> memref<2048xf32, #tpu.memory_space<hbm>>
        tpu.enqueue_dma source(%arg15 : memref<2048xf32, #tpu.memory_space<vmem>>) target(%dma_start3A_58 : memref<2048xf32, #tpu.memory_space<hbm>>) target_semaphore(%run_scoped3A : memref<!tpu.dma_semaphore, #tpu.memory_space<semaphore_mem>>)
        %dma_wait3A_59 = tpu.memref_slice %arg6[%mul3A_53] : memref<524288xf32, #tpu.memory_space<hbm>> -> memref<2048xf32, #tpu.memory_space<hbm>>
        %dma_wait3A_60 = tpu.memref_slice %arg6[%mul3A_53] : memref<524288xf32, #tpu.memory_space<hbm>> -> memref<2048xf32, #tpu.memory_space<hbm>>
        tpu.wait_dma2 semaphore(%run_scoped3A : memref<!tpu.dma_semaphore, #tpu.memory_space<semaphore_mem>>) src(%arg15 : memref<2048xf32, #tpu.memory_space<vmem>>) dst(%dma_wait3A_60 : memref<2048xf32, #tpu.memory_space<hbm>>)
        tpu.yield
      }) : () -> ()
      %mul3A_54 = arith.constant 208 : i32
      %mul3A_55 = arith.muli %add3A_26, %mul3A_54 : i32
      "tpu.region"() ({
        %run_scoped3A = tpu.sem_alloc : memref<!tpu.dma_semaphore, #tpu.memory_space<semaphore_mem>>
        %dma_start3A_57 = tpu.memref_slice %arg7[%mul3A_55] : memref<3407872xf32, #tpu.memory_space<hbm>> -> memref<13312xf32, #tpu.memory_space<hbm>>
        %dma_start3A_58 = tpu.memref_slice %arg7[%mul3A_55] : memref<3407872xf32, #tpu.memory_space<hbm>> -> memref<13312xf32, #tpu.memory_space<hbm>>
        tpu.enqueue_dma source(%arg16 : memref<13312xf32, #tpu.memory_space<vmem>>) target(%dma_start3A_58 : memref<13312xf32, #tpu.memory_space<hbm>>) target_semaphore(%run_scoped3A : memref<!tpu.dma_semaphore, #tpu.memory_space<semaphore_mem>>)
        %dma_wait3A_59 = tpu.memref_slice %arg7[%mul3A_55] : memref<3407872xf32, #tpu.memory_space<hbm>> -> memref<13312xf32, #tpu.memory_space<hbm>>
        %dma_wait3A_60 = tpu.memref_slice %arg7[%mul3A_55] : memref<3407872xf32, #tpu.memory_space<hbm>> -> memref<13312xf32, #tpu.memory_space<hbm>>
        tpu.wait_dma2 semaphore(%run_scoped3A : memref<!tpu.dma_semaphore, #tpu.memory_space<semaphore_mem>>) src(%arg16 : memref<13312xf32, #tpu.memory_space<vmem>>) dst(%dma_wait3A_60 : memref<13312xf32, #tpu.memory_space<hbm>>)
        tpu.yield
      }) : () -> ()
      %scan3A_56 = arith.constant 0 : i32
      scf.yield %scan3A_56 : i32
    }
    %scan3A_21 = arith.constant 8 : i32
    return
  }
}

</mosaic_0001>

<sc_bundles>
// kernel: kernel.3.cloned.1.call-start
scs
__scs_entry_jumppad:
0x0: {  	(pc) =	sbr.rel $0x88, $3  }
0x1: {  	(tag) =	ssettag $0x0;
	lr =	simm.s32 $0x1  }
0x2: {  	[smem:$0x3F9C] =	sst lr;
	_ =	strace $0xD0000000  }
0x3: {  	_ = 	snop  }
0x4: {  	_ = 	snop  }
0x5: {  	_ = 	snop  }
0x6: {  	_ = 	snop  }
0x7: {  	_ = 	snop  }
__scs_overlays_trampoline_lowered:
0x8: {  	[smem:$0x3FAB] =	sst s0  }
0x9: {  	[smem:$0x3FAC] =	sst s1  }
0xa: {  	[smem:$0x3FAD] =	sst s2  }
0xb: {  	[smem:$0x3FAE] =	sst s3  }
0xc: {  	[smem:$0x3FAF] =	sst s4  }
0xd: {  	[smem:$0x3FB0] =	sst s5  }
0xe: {  	[smem:$0x3FB1] =	sst s6  }
0xf: {  	[smem:$0x3FB2] =	sst s7  }
0x10: {  	[smem:$0x3FB3] =	sst s8  }
0x11: {  	[smem:$0x3FB4] =	sst s9;
	s0 =	simm.s32 @!p0 $0x0  }
0x12: {  	s1 =	sld [smem:$0x3F9A];
	s0 =	simm.s32 @p0 $0x1  }
0x13: {  	[smem:$0x3FB5] =	sst s0;
	s0 =	simm.s32 @!p1 $0x0  }
0x14: {  	s2 =	sld [smem:$0x3F99];
	s0 =	simm.s32 @p1 $0x1  }
0x15: {  	[smem:$0x3FB6] =	sst s0;
	s0 =	simm.s32 @!p2 $0x0  }
0x16: {  	s3 =	sld [smem:$0x3FDB];
	s0 =	simm.s32 @p2 $0x1  }
0x17: {  	s4 =	simm.s32 $0x1BF5;
	[smem:$0x3FB8] =	sst s0  }
0x18: {  	s0 =	sld [smem:$0x3F9B];
	_ =	swait.ge [sflag:s4], $0x0  }
0x19: {  	s7 =	sld [smem:$0x3F9C]  }
0x1a: {  	s8 =	sadd.s32 $0xFFFFE003, lr  }
0x1b: {  	s9 =	sadd.s32 $0xFFFFFEF7, lr;
	s5 =	simm.s32 $0xFFFFFFFF;
	p2 =	slt.u32 s8, $0xFFFFF086  }
0x1c: {  	p1 =	slt.u32 s9, $0xF7A;
	s5 =	simm.s32 @!p2 $0x0  }
0x1d: {  	s5 =	simm.s32 @p1 $0x1;
	p0 =	seq.s32 s7, s2  }
0x1e: {  	s7 =	smul.u32 @!p0 $0xF7A, s2;
	p2 =	seq.s32 @!p0 s5, $0x0  }
0x1f: {  	s9 =	smul.u32 $0xF7A, s1;
	s8 =	simm.s32 @!p0 $0x1BF5;
	p2 =	por !p2, p0  }
0x20: {  	[sflag:s8] =	ssyncset.s32 @!p0 $0xFFFFF086;
	s6 =	sadd.s32 @!p0 s3, s7;
	s7 =	simm.s32 @!p0 $0x108  }
0x21: {  	s3 =	sadd.s32 s3, s9;
	s6 =	sadd.s32 @!p0 $0x88, s6;
	s7 =	simm.s32 @p2 $0x1082  }
0x22: {  	[simem:s7], [sflag:s8] =	dma.local @!p0 [hbm:s6], $0xF7A  }
0x23: {  	s9 =	sor.u32 $0xD0000000, s2;
	s6 =	simm.s32 $0x108;
	_ =	swait.ge @!p0 [sflag:s8], $0x0  }
0x24: {  	s3 =	sadd.s32 $0x88, s3;
	s6 =	simm.s32 @!p1 $0x1082;
	[sflag:s4] =	ssyncset.s32 $0xFFFFF086  }
0x25: {  	[simem:s6], [sflag:s4] =	dma.local [hbm:s3], $0xF7A  }
0x26: {  	[smem:$0x3F9C] =	sst s1;
	(tag) =	ssettag s2;
	_ =	strace s9  }
0x27: {  	s1 =	sld [smem:$0x3FAC]  }
0x28: {  	s2 =	sld [smem:$0x3FAD]  }
0x29: {  	s4 =	sld [smem:$0x3FAF]  }
0x2a: {  	p0 =	seq.s32 s5, $0x0;
	s5 =	sld [smem:$0x3FB0]  }
0x2b: {  	s6 =	sld [smem:$0x3FB1]  }
0x2c: {  	s7 =	sld [smem:$0x3FB2]  }
0x2d: {  	s3 =	simm.s32 $0x108;
	s8 =	sld [smem:$0x3FB3]  }
0x2e: {  	s3 =	simm.s32 @!p0 $0x1082;
	s9 =	sld [smem:$0x3FB4]  }
0x2f: {  	lr =	sadd.s32 s0, s3;
	s0 =	sld [smem:$0x3FAB]  }
0x30: {  	s3 =	sld [smem:$0x3FAE]  }
0x31: {  	[smem:$0x3FB7] =	sst s10  }
0x32: {  	s10 =	sld [smem:$0x3FB5];
	_ =	sdelay $0x3  }
0x33: {  	p0 =	seq.s32 s10, $0x1;
	s10 =	sld [smem:$0x3FB7];
	_ =	sdelay $0x3  }
0x34: {  	[smem:$0x3FB7] =	sst s10  }
0x35: {  	s10 =	sld [smem:$0x3FB6];
	_ =	sdelay $0x3  }
0x36: {  	p1 =	seq.s32 s10, $0x1;
	s10 =	sld [smem:$0x3FB7];
	_ =	sdelay $0x3  }
0x37: {  	[smem:$0x3FB7] =	sst s10  }
0x38: {  	s10 =	sld [smem:$0x3FB8]  }
0x39: {  	_ = 	snop;
	(pc) =	sbr.ind lr, $3  }
0x3a: {  	_ = 	snop  }
0x3b: {  	_ = 	snop  }
0x3c: {  	p2 =	seq.s32 s10, $0x1;
	s10 =	sld [smem:$0x3FB7]  }
0x3d: {  	_ =	shalt  }
0x3e: {  	_ =	shalt  }
0x3f: {  	_ =	shalt  }
0x40: {  	_ =	shalt  }
0x41: {  	_ =	shalt  }
0x42: {  	_ =	shalt  }
0x43: {  	_ =	shalt  }
0x44: {  	_ =	shalt  }
0x45: {  	_ =	shalt  }
0x46: {  	_ =	shalt  }
0x47: {  	_ =	shalt  }
0x48: {  	_ =	shalt  }
0x49: {  	_ =	shalt  }
0x4a: {  	_ =	shalt  }
0x4b: {  	_ =	shalt  }
0x4c: {  	_ =	shalt  }
0x4d: {  	_ =	shalt  }
0x4e: {  	_ =	shalt  }
0x4f: {  	_ =	shalt  }
0x50: {  	_ =	shalt  }
0x51: {  	_ =	shalt  }
0x52: {  	_ =	shalt  }
0x53: {  	_ =	shalt  }
0x54: {  	_ =	shalt  }
0x55: {  	_ =	shalt  }
0x56: {  	_ =	shalt  }
0x57: {  	_ =	shalt  }
0x58: {  	_ =	shalt  }
0x59: {  	_ =	shalt  }
0x5a: {  	_ =	shalt  }
0x5b: {  	_ =	shalt  }
0x5c: {  	_ =	shalt  }
0x5d: {  	_ =	shalt  }
0x5e: {  	_ =	shalt  }
0x5f: {  	_ =	shalt  }
0x60: {  	_ =	shalt  }
0x61: {  	_ =	shalt  }
0x62: {  	_ =	shalt  }
0x63: {  	_ =	shalt  }
0x64: {  	_ =	shalt  }
0x65: {  	_ =	shalt  }
0x66: {  	_ =	shalt  }
0x67: {  	_ =	shalt  }
0x68: {  	_ =	shalt  }
0x69: {  	_ =	shalt  }
0x6a: {  	_ =	shalt  }
0x6b: {  	_ =	shalt  }
0x6c: {  	_ =	shalt  }
0x6d: {  	_ =	shalt  }
0x6e: {  	_ =	shalt  }
0x6f: {  	_ =	shalt  }
0x70: {  	_ =	shalt  }
0x71: {  	_ =	shalt  }
0x72: {  	_ =	shalt  }
0x73: {  	_ =	shalt  }
0x74: {  	_ =	shalt  }
0x75: {  	_ =	shalt  }
0x76: {  	_ =	shalt  }
0x77: {  	_ =	shalt  }
0x78: {  	_ =	shalt  }
0x79: {  	_ =	shalt  }
0x7a: {  	_ =	shalt  }
0x7b: {  	_ =	shalt  }
0x7c: {  	_ =	shalt  }
0x7d: {  	_ =	shalt  }
0x7e: {  	_ =	shalt  }
0x7f: {  	_ =	shalt  }
0x80: {  	_ =	shalt  }
0x81: {  	_ =	shalt  }
0x82: {  	_ =	shalt  }
0x83: {  	_ =	shalt  }
0x84: {  	_ =	shalt  }
0x85: {  	_ =	shalt  }
0x86: {  	_ =	shalt  }
0x87: {  	_ =	shalt  }
.Lfunc_end0:
.L_simem_size_0:
called_computation_lowered:
.L_overlay_start_0:
0x88: {  	s2 =	sld [smem:$0x3FD9]  }
0x89: {  	s3 =	sld [smem:$0x3FFE];
	_ =	sdelay $0x1  }
0x8a: {  	s1 =	srdreg.scid  }
0x8b: {  	s0 =	sand.u32 $0x1, s1  }
0x8c: {  	s17 =	sshll.u32 s0, $0xA;
	s2 =	sadd.s32 s3, s2  }
0x8d: {  	s2 =	sadd.s32 s2, s17  }
0x8e: {  	[smem:$0x3FC3] =	sst s2  }
0x8f: {  	_ = 	snop  }
0x90: {  	s2 =	sld [smem:$0x3FC9]  }
0x91: {  	s18 =	sld [smem:$0x3FC6];
	(tm) =	ssettm $0x1  }
0x92: {  	s4 =	sld [smem:$0x3FFB];
	_ =	sdelay $0x3  }
0x93: {  	_ =	strace s4  }
0x94: {  	s4 =	sld [smem:$0x3FFC];
	_ =	sdelay $0x3  }
0x95: {  	_ =	strace s4  }
0x96: {  	s4 =	sld [smem:$0x3FFD];
	_ =	sdelay $0x3  }
0x97: {  	_ =	strace s4  }
0x98: {  	_ =	strace $0x8FFFFFFF  }
0x99: {  	s19 =	sld [smem:$0x3FDB];
	_ =	sdelay $0x1  }
0x9a: {  	s5 =	simm.s32 $_scs_section_size  }
0x9b: {  	s6 =	simm.s32 $_size__tile_overlayer_lowered;
	s7 =	simm.s32 $_tile_overlayer_lowered  }
0x9c: {  	s22 =	simm.s32 $0x1BFF;
	s21 =	sshll.u32 s7, $0x1;
	s4 =	sadd.s32 s5, s19  }
0x9d: {  	s8 =	simm.s32 $0x0;
	s20 =	sshll.u32 s6, $0x1;
	s6 =	sadd.s32 s21, s4  }
0x9e: {  	[timem:s8], [sflag:s22] =	dma.local [hbm:s6], s20  }
0x9f: {  	_ =	swait.ge [sflag:s22], s20  }
0xa0: {  	s5 =	ssub.s32 $0x0, s20;
	[sflag:s22] =	ssyncset.done $0x0  }
0xa1: {  	[sflag:s22] =	ssyncadd.s32 s5;
	_ =	sdelay $0x1  }
0xa2: {  	s23 =	simm.s32 $0x1B8B  }
0xa3: {  	_ =	swait.ge [sflag:s23], $0x1  }
0xa4: {  	[sflag:s23] =	ssyncset.done $0x0  }
0xa5: {  	s25 =	simm.s32 $0x1B8E;
	s24 =	sld [smem:$0x3FFE];
	[sflag:s23] =	ssyncadd.s32 $0xFFFFFFFF  }
0xa6: {  	s26 =	simm.s32 $execute0_lowered;
	[smem:$0x3FD2] =	sst s25  }
0xa7: {  	s6 =	sshll.u32 s26, $0x1;
	_ =	strace $0x80000046;
	[dreg:$0x1] =	wrdreg $0xFFFFFFFF  }
0xa8: {  	s28 =	simm.s32 $_size_execute0_lowered;
	s4 =	sadd.s32 s4, s6;
	[dreg:$0x0] =	wrdreg $0x0  }
0xa9: {  	s6 =	sshll.u32 s28, $0x1;
	[dreg:$0x2] =	wrdreg s4  }
0xaa: {  	[dreg:$0x3] =	wrdreg s6  }
0xab: {  	[dreg:$0x4] =	wrdreg $0xC0  }
0xac: {  	_ =	task [dreg:s8], $0x5FFFF  }
0xad: {  	[dreg:$0x1] =	wrdreg $0xFFFFFFFF  }
0xae: {  	[dreg:$0x0] =	wrdreg $0x60  }
0xaf: {  	[dreg:$0x2] =	wrdreg s24  }
0xb0: {  	[dreg:$0x3] =	wrdreg s2  }
0xb1: {  	[dreg:$0x4] =	wrdreg s18  }
0xb2: {  	[dreg:$0x5] =	wrdreg $0x9  }
0xb3: {  	_ =	task.clear_ibuf [dreg:s8], $0x6FFFF;
	_ =	strace $0x90000046  }
0xb4: {  	s29 =	simm.s32 $0x9;
	_ =	strace $0x80000048  }
0xb5: {  	_ =	swait.ge [sflag:s29], $0x1  }
0xb6: {  	[sflag:s29] =	ssyncadd.s32 $0xFFFFFFFF  }
0xb7: {  	_ =	strace $0x90000048  }
0xb8: {  	_ =	sfence  }
0xb9: {  	s30 =	sld [smem:$0x0];
	_ =	sdelay $0x2  }
0xba: {  	s31 =	sshll.u32 s1, $0xD;
	s1 =	sshrl.u32 s1, $0x2  }
0xbb: {  	s3 =	sand.u32 $0x4000, s31;
	s1 =	sadd.s32 s1, s30  }
0xbc: {  	s0 =	sor.u32 s3, s0;
	s1 =	sshll.u32 s1, $0x11  }
0xbd: {  	s0 =	sor.u32 s1, s0  }
0xbe: {  	s0 =	sadd.s32 $0x8F2B, s0  }
0xbf: {  	[sflag:s0] =	ssyncadd.remote.s32 $0x1  }
0xc0: {  	_ =	sfence.sel $0xFFFF  }
0xc1: {  	[dreg:$0x0] =	wrdreg $0xFFFFFFFF;
	(pc) =	sbr.abs _section_cstart, $3  }
0xc2: {  	[dreg:$0x1] =	wrdreg $0xFFFFFFFF  }
0xc3: {  	_ =	task.clear_ibuf [dreg:s8], $0x2FFFF;
	_ =	strace $0x9FFFFFFF  }
0xc4: {  	(tm) =	ssettm $0x7FFFFFFF  }
0xc5: {  	_ =	shalt  }
tec
execute0_lowered:
.L_overlay_start_1:
0x0: {  	(tag) =	ssettag $0x1  }
0x1: {  	v0 =	vimm.s32 $0xFEDCBA98;
	v1 =	vimm.s32 $0x76543210  }
0x2: {  	s0 =	rddreg [dreg:$0x0];
	v2 =	vimm.s32 $0xBA98FEDC;
	v3 =	vimm.s32 $0x32107654;
	v4 =	vimm.s32 $0xDCFE98BA  }
0x3: {  	s1 =	simm.s32 $0x0;
	s29 =	srdreg.scid;
	s3 =	stileid.u32;
	v5 =	vimm.s32 $0x54761032;
	v6 =	vimm.s32 $0xEFCDAB89;
	v7 =	vimm.s32 $0x67452301  }
0x4: {  	s11 =	simm.s32 $0x4;
	s12 =	simm.s32 $0x3800;
	s15 =	simm.s32 $0x3;
	v0 =	vunpack.c.l.s4.s8 v0;
	v1 =	vunpack.c.l.s4.s8 v1;
	v2 =	vunpack.c.l.s4.s8 v2  }
0x5: {  	s16 =	simm.s32 $0x70;
	s19 =	simm.s32 $0x9040;
	s20 =	simm.s32 $0xAC40;
	v3 =	vunpack.c.l.s4.s8 v3;
	v4 =	vunpack.c.l.s4.s8 v4;
	v5 =	vunpack.c.l.s4.s8 v5  }
0x6: {  	s21 =	simm.s32 $0x1;
	s22 =	simm.s32 $0xC840;
	s23 =	simm.s32 $0xD040;
	v6 =	vunpack.c.l.s4.s8 v6;
	v7 =	vunpack.c.l.s4.s8 v7;
	v0 =	vunpack.c.0.s8.s32 v0  }
0x7: {  	s24 =	simm.s32 $0x2;
	[smem:$0x7FF] =	sst s1;
	s1 =	sand.u32 $0x1, s29;
	v2 =	vunpack.c.0.s8.s32 v2;
	v3 =	vunpack.c.0.s8.s32 v3;
	v4 =	vunpack.c.0.s8.s32 v4  }
.Ltmp0:
0x8: {  	s4 =	sadd.s32 $0xA00, s0;
	s2 =	ssub.s32 $0x2, s1;
	v5 =	vunpack.c.0.s8.s32 v5;
	v6 =	vunpack.c.0.s8.s32 v6;
	v7 =	vunpack.c.0.s8.s32 v7;
	(pc) =	sbr.rel .LBB2_1-.Ltmp0, $4  }
0x9: {  	s5 =	sadd.s32 $0x70A00, s0;
	s6 =	sadd.s32 $0x19C000, s0;
	s7 =	sshrl.u32 s2, $0x1;
	v1 =	vunpack.c.0.s8.s32 v1;
	v2 =	vcombine.low v3, v2  }
0xa: {  	s30 =	sshll.u32 s3, $0xA;
	s8 =	sadd.s32 $0x134000, s0;
	s2 =	ssub.s32 s2, s7;
	v3 =	vcombine.low v5, v4;
	v4 =	vcombine.low v7, v6;
	v0 =	vand.u32 $0xF, v0  }
0xb: {  	_ =	strace $0x80000047;
	s1 =	sshll.u32 s1, $0x9;
	s31 =	smax.u32 s2, $0x1;
	v0 =	vcombine.low v0, v1  }
0xc: {  	s9 =	sor.u32 s1, s30;
	s1 =	simm.s32 $0x0;
	[dreg:$0x4] =	wrdreg s31;
	v1 =	vand.u32 $0xF, v2;
	v2 =	vand.u32 $0xF, v3;
	v3 =	vand.u32 $0xF, v4  }
.LBB2_21:
0xd: {  	s1 =	rddreg [dreg:$0x5]  }
0xe: {  	s0 =	rddreg [dreg:$0x4];
	s1 =	sadd.s32 $0x1, s1  }
0xf: {  	p0 =	sne.s32 s1, s0  }
.Ltmp1:
0x10: {  	_ = 	snop;
	(pc) =	sbr.rel @!p0 .LBB2_22-.Ltmp1, $1  }
0x11: {  	_ =	sdelay $0x3  }
.LBB2_1:
.Ltmp2:
0x12: {  	(pc) =	sbr.rel .LBB2_2-.Ltmp2, $2  }
0x13: {  	_ =	sdelay $0x2  }
0x14: {  	[dreg:$0x5] =	wrdreg s1;
	s26 =	simm.s32 $0x0  }
.LBB2_20:
0x15: {  	s0 =	sshll.u32 s28, $0x2  }
0x16: {  	s1 =	simm.s32 $0x0;
	s0 =	sadd.s32 s6, s0  }
0x17: {  	[hbm4b:s0+s1] =	stream.linear.scatter [tilespmem:s22], [sflag:$0x4], $0x800, $0x38;
	[tilespmem:$0x10440] =	vst v63  }
0x18: {  	s31 =	smul.u32 $0x1A, s28;
	s26 =	sadd.s32 $0x1, s26;
	_ =	swait.ge [sflag:s11], $0x800  }
0x19: {  	p0 =	sne.s32 s26, $0x8;
	[sflag:s11] =	ssyncset.done $0x0  }
.Ltmp3:
0x1a: {  	s0 =	sadd.s32 s8, s31;
	[sflag:s11] =	ssyncadd.s32 $0xFFFFF800;
	(pc) =	sbr.rel @!p0 .LBB2_21-.Ltmp3, $4  }
0x1b: {  	[hbm4b:s0+s1] =	stream.linear.scatter [tilespmem:s23], [sflag:$0x4], $0x3400, $0x38;
	[tilespmem:$0x10440] =	vst v63  }
0x1c: {  	_ =	swait.ge [sflag:s11], $0x3400  }
0x1d: {  	[sflag:s11] =	ssyncset.done $0x0  }
0x1e: {  	[sflag:s11] =	ssyncadd.s32 $0xFFFFCC00  }
.LBB2_2:
0x1f: {  	s0 =	sshll.u32 s26, $0x6  }
0x20: {  	s28 =	sadd.s32 s9, s0  }
0x21: {  	s0 =	smul.u32 $0x1C, s28;
	_ =	sdelay $0x1  }
0x22: {  	s29 =	simm.s32 $0x0;
	s0 =	sadd.s32 s4, s0  }
0x23: {  	[tilespmem:s29], [sflag:$0x4] =	stream.linear.gather [hbm4b:s0+s29], $0x3800, $0x38;
	[tilespmem:$0x10440] =	vst v63  }
0x24: {  	_ =	swait.ge [sflag:s11], $0x3800  }
0x25: {  	[sflag:s11] =	ssyncset.done $0x0  }
0x26: {  	[sflag:s11] =	ssyncadd.s32 $0xFFFFC800  }
0x27: {  	s13 =	sshrl.u32 s28, $0x3;
	s1 =	rddreg [dreg:$0x1]  }
0x28: {  	s0 =	sadd.s32 s1, s13  }
0x29: {  	[tilespmem:s12], [sflag:$0x4] =	stream.linear.gather [hbm4b:s0+s29], $0x40, $0x38;
	[tilespmem:$0x10440] =	vst v63  }
0x2a: {  	_ =	swait.ge [sflag:s11], $0x40  }
0x2b: {  	[sflag:s11] =	ssyncset.done $0x0  }
0x2c: {  	[sflag:s11] =	ssyncadd.s32 $0xFFFFFFC0  }
0x2d: {  	s17 =	simm.s32 $0x40;
	s2 =	simm.s32 $0x3840;
	s14 =	rddreg [dreg:$0x2]  }
0x2e: {  	[tilespmem:s2], [sflag:$0x3] =	stream.indirect.gather [hbm4b:s14+s17], $0x80, s12, s17, $0xb8;
	[tilespmem:$0x10440] =	vst v63  }
0x2f: {  	_ =	swait.ge [sflag:s15], $0x2000  }
0x30: {  	[sflag:s15] =	ssyncset.done $0x0  }
0x31: {  	s18 =	simm.s32 $0x5840;
	[sflag:s15] =	ssyncadd.s32 $0xFFFFE000  }
0x32: {  	[tilespmem:s18], [sflag:$0x1] =	stream.indirect.gather [hbm4b:s5+s16], $0x40, s29, s16, $0xb8;
	[tilespmem:$0x10440] =	vst v63  }
0x33: {  	s25 =	simm.s32 $0x7440;
	s30 =	simm.s32 $0x0;
	s31 =	simm.s32 $0x0  }
0x34: {  	[tilespmem:s25], [sflag:$0x1] =	stream.indirect.gather [hbm4b:s5+s16], $0x40, s16, s16, $0xb8;
	[tilespmem:$0x10440] =	vst v63  }
.LBB2_3:
0x35: {  	s0 =	sshllo.u32 s31, $0x1  }
0x36: {  	s1 =	smul.u32 $0x380, s0;
	_ =	sdelay $0x1  }
0x37: {  	s1 =	sshra.s32 s1, $0x2  }
0x38: {  	[tilespmem:s19], [sflag:$0x2] =	stream.indirect.gather [hbm4b:s5+s16], $0x40, s1, s16, $0xb8;
	[tilespmem:$0x10440] =	vst v63  }
0x39: {  	s1 =	sadd.s32 $0x70, s1  }
0x3a: {  	[tilespmem:s20], [sflag:$0x2] =	stream.indirect.gather [hbm4b:s5+s16], $0x40, s1, s16, $0xb8;
	[tilespmem:$0x10440] =	vst v63  }
0x3b: {  	_ =	swait.ge [sflag:s21], $0x1C00  }
0x3c: {  	[sflag:s21] =	ssyncset.done $0x0  }
0x3d: {  	[sflag:s21] =	ssyncadd.s32 $0xFFFFE400  }
0x3e: {  	_ =	swait.ge [sflag:s21], $0x1C00  }
0x3f: {  	s14 =	sshll.u32 s31, $0x8;
	[sflag:s21] =	ssyncset.done $0x0  }
0x40: {  	s1 =	sand.u32 $0x3FFFFF00, s14;
	[sflag:s21] =	ssyncadd.s32 $0xFFFFE400  }
0x41: {  	v4 =	vld [tilespmem:s1+$0x3840]  }
0x42: {  	v5 =	vld [tilespmem:s1+$0x3880]  }
0x43: {  	v6 =	vld [tilespmem:s1+$0x3850]  }
0x44: {  	v7 =	vld [tilespmem:s1+$0x3890]  }
0x45: {  	v8 =	vld [tilespmem:s1+$0x3860]  }
0x46: {  	v9 =	vld [tilespmem:s1+$0x38A0]  }
0x47: {  	v10 =	vld [tilespmem:s1+$0x3870]  }
0x48: {  	s17 =	simm.s32 $0x58C0;
	v11 =	vld [tilespmem:s1+$0x38B0]  }
0x49: {  	v12 =	vld [tilespmem:s17+$0x40]  }
0x4a: {  	v13 =	vld [tilespmem:s17+$0x50]  }
0x4b: {  	v14 =	vld [tilespmem:s17+$0x60]  }
0x4c: {  	v15 =	vld [tilespmem:s17+$0x70]  }
0x4d: {  	v16 =	vld [tilespmem:s17+$0xFFFFFF90]  }
0x4e: {  	v17 =	vld [tilespmem:s17+$0xFFFFFFA0]  }
0x4f: {  	v18 =	vld [tilespmem:s17+$0xFFFFFFB0]  }
0x50: {  	v19 =	vld [tilespmem:s17+$0x30]  }
0x51: {  	v4 =	vpack.i.f32.bf16 v5, v4;
	v5 =	vpack.i.f32.bf16 v7, v6;
	v6 =	vpack.i.f32.bf16 v9, v8;
	v8 =	vld [tilespmem:s17+$0xFFFFFFC0]  }
0x52: {  	v7 =	vpack.i.f32.bf16 v11, v10;
	v11 =	vld [tilespmem:s17+$0xFFFFFFD0];
	v9 =	vmul.bf16 v12, v4;
	v10 =	vmul.bf16 v13, v5  }
0x53: {  	v12 =	vmul.bf16 v14, v6;
	v13 =	vmul.bf16 v15, v7;
	v14 =	vld [tilespmem:s17+$0xFFFFFFE0]  }
0x54: {  	v15 =	vld [tilespmem:s17+$0xFFFFFFF0]  }
0x55: {  	v9 =	vadd.bf16 v10, v9;
	v10 =	vadd.bf16 v13, v12;
	v12 =	vld [tilespmem:s17+$0x0]  }
0x56: {  	v16 =	vmul.bf16 v16, v5;
	v17 =	vmul.bf16 v17, v6;
	v13 =	vld [tilespmem:s17+$0x10]  }
0x57: {  	v18 =	vmul.bf16 v18, v7;
	v9 =	vadd.bf16 v10, v9;
	v10 =	vld [tilespmem:s17+$0x20];
	v8 =	vmul.bf16 v8, v4  }
0x58: {  	v21 =	vld [tilespmem:s17+$0xFFFFFF80];
	v11 =	vmul.bf16 v11, v5;
	v14 =	vmul.bf16 v14, v6  }
0x59: {  	v15 =	vmul.bf16 v15, v7;
	v20 =	vshll.u32 v9, $0x10;
	v9 =	vand.u32 $0xFFFF0000, v9  }
0x5a: {  	s18 =	simm.s32 $0x59C0;
	v8 =	vadd.bf16 v11, v8;
	v9 =	vadd.f32 v9, v20;
	v12 =	vmul.bf16 v12, v4  }
0x5b: {  	v50 =	vld [tilespmem:s18+$0xFFFFFFE0];
	v11 =	vmul.bf16 v13, v5;
	v14 =	vadd.bf16 v15, v14;
	v15 =	vmul.bf16 v19, v7  }
0x5c: {  	v13 =	vperm.xlane v9, v0;
	v10 =	vmul.bf16 v10, v6  }
0x5d: {  	s2 =	sadd.s32 $0xFFFFFFFC, s30;
	v27 =	vld [tilespmem:s18+$0xFFFFFFF0];
	v11 =	vadd.bf16 v11, v12;
	v12 =	vmul.bf16 v21, v4;
	v8 =	vadd.bf16 v14, v8  }
0x5e: {  	s25 =	sadd.s32 $0x5, s2;
	v9 =	vadd.f32 v9, v13;
	v10 =	vadd.bf16 v15, v10  }
0x5f: {  	v47 =	vmov s25;
	v53 =	vld [tilespmem:s18+$0x10];
	v13 =	vadd.bf16 v18, v17;
	v12 =	vadd.bf16 v16, v12  }
0x60: {  	v56 =	vld [tilespmem:s18+$0xFFFFFF80];
	v55 =	vmul.bf16 v50, v6;
	v15 =	vshll.u32 v8, $0x10;
	v14 =	vperm.xlane v9, v1  }
0x61: {  	v8 =	vand.u32 $0xFFFF0000, v8;
	v10 =	vadd.bf16 v10, v11;
	v11 =	vadd.bf16 v13, v12  }
0x62: {  	v46 =	vld [tilespmem:s18+$0x70];
	v27 =	vmul.bf16 v27, v7;
	v8 =	vadd.f32 v8, v15;
	v9 =	vadd.f32 v9, v14  }
0x63: {  	v12 =	vshll.u32 v10, $0x10;
	v14 =	vshll.u32 v11, $0x10;
	v11 =	vand.u32 $0xFFFF0000, v11  }
0x64: {  	v18 =	vld [tilespmem:s18+$0x60];
	v10 =	vand.u32 $0xFFFF0000, v10;
	v11 =	vadd.f32 v11, v14;
	v13 =	vperm.xlane v9, v2  }
0x65: {  	v57 =	vmul.bf16 v53, v5;
	v60 =	vmul.bf16 v56, v4;
	v10 =	vadd.f32 v10, v12;
	v12 =	vld [tilespmem:s18+$0x40]  }
0x66: {  	s10 =	sadd.s32 $0x7, s2;
	v14 =	vperm.xlane v8, v0;
	v17 =	vperm.xlane v11, v0;
	v9 =	vadd.f32 v9, v13;
	v13 =	vld [tilespmem:s18+$0x50]  }
0x67: {  	v19 =	vmov s10;
	v20 =	vmul.bf16 v46, v7;
	v16 =	vperm.xlane v10, v0  }
0x68: {  	s7 =	sadd.s32 $0x4, s2;
	v8 =	vadd.f32 v8, v14;
	v11 =	vadd.f32 v11, v17;
	v14 =	vperm.xlane v9, v3  }
0x69: {  	v24 =	vld [tilespmem:s18+$0xFFFFFFB0];
	v15 =	vmov s7;
	v18 =	vmul.bf16 v18, v6;
	v10 =	vadd.f32 v10, v16  }
0x6a: {  	v22 =	vperm.xlane v8, v1;
	v23 =	vperm.xlane v11, v1;
	v14 =	vadd.f32 v9, v14;
	v9 =	vld [tilespmem:s18+$0xFFFFFFA0]  }
0x6b: {  	v15 =	vand.u32 $0xFFFFFFFC, v15;
	v12 =	vmul.bf16 v12, v4;
	v13 =	vmul.bf16 v13, v5  }
0x6c: {  	v48 =	vld [tilespmem:s18+$0xFFFFFFC0];
	v25 =	vperm.xlane v10, v1;
	v8 =	vadd.f32 v8, v22;
	v11 =	vadd.f32 v11, v23  }
0x6d: {  	v49 =	vld [tilespmem:s18+$0xFFFFFFD0];
	v15 =	vbroadcast v15, $0x0;
	v12 =	vadd.bf16 v13, v12;
	v13 =	vadd.bf16 v20, v18  }
0x6e: {  	v10 =	vadd.f32 v10, v25;
	v52 =	vperm.xlane v8, v2;
	v26 =	vperm.xlane v11, v2  }
0x6f: {  	v51 =	vld [tilespmem:s18+$0x0];
	v18 =	vmul.bf16 v24, v7;
	v9 =	vmul.bf16 v9, v6;
	v12 =	vadd.bf16 v13, v12  }
0x70: {  	v28 =	vld [tilespmem:s18+$0x30];
	v54 =	vperm.xlane v10, v2;
	v24 =	vadd.f32 v8, v52;
	v11 =	vadd.f32 v11, v26  }
0x71: {  	v18 =	vadd.bf16 v18, v9;
	v9 =	vld [tilespmem:s18+$0x20];
	v8 =	vshll.u32 v12, $0x10;
	v12 =	vand.u32 $0xFFFF0000, v12  }
0x72: {  	s2 =	sadd.s32 $0x6, s2;
	v16 =	vld [tilespmem:s18+$0xFFFFFF90];
	v22 =	vmul.bf16 v48, v4;
	v13 =	vmul.bf16 v49, v5;
	v12 =	vadd.f32 v12, v8  }
0x73: {  	v17 =	vmov s2;
	v8 =	vadd.f32 v10, v54;
	v10 =	vperm.xlane v11, v3  }
0x74: {  	v20 =	vmul.bf16 v51, v4;
	v13 =	vadd.bf16 v13, v22;
	v58 =	vperm.xlane v12, v0  }
0x75: {  	v22 =	vadd.bf16 v27, v55;
	v29 =	vadd.f32 v11, v10;
	v10 =	vperm.xlane v24, v3  }
0x76: {  	v11 =	vmul.bf16 v28, v7;
	v59 =	vmul.bf16 v9, v6;
	v12 =	vadd.f32 v12, v58  }
0x77: {  	v16 =	vmul.bf16 v16, v5;
	v20 =	vadd.bf16 v57, v20;
	v13 =	vadd.bf16 v22, v13  }
0x78: {  	v61 =	vadd.bf16 v11, v59;
	v62 =	vperm.xlane v12, v1;
	v11 =	vadd.f32 v24, v10  }
0x79: {  	v10 =	vadd.bf16 v16, v60;
	v16 =	vshll.u32 v13, $0x10;
	v13 =	vand.u32 $0xFFFF0000, v13  }
0x7a: {  	v21 =	vand.u32 $0xFFFFFFFD, v47;
	v17 =	vand.u32 $0xFFFFFFFE, v17;
	v13 =	vadd.f32 v13, v16  }
0x7b: {  	v9 =	vperm.xlane v8, v3;
	v20 =	vadd.bf16 v61, v20;
	v63 =	vadd.f32 v12, v62  }
0x7c: {  	v12 =	vbroadcast v21, $0x0;
	v18 =	vadd.bf16 v18, v10;
	v10 =	vbroadcast v17, $0x0  }
0x7d: {  	[tilespmem:v19+s22+$0x0] =	vst.idx.msk $0x1, v14;
	v14 =	vshll.u32 v20, $0x10;
	v16 =	vand.u32 $0xFFFF0000, v20;
	v19 =	vperm.xlane v63, v2  }
0x7e: {  	s1 =	simm.s32 $0x4;
	s7 =	sadd.s32 $0x0, s30;
	[tilespmem:v15+s22+$0x0] =	vst.idx.msk $0x1, v29;
	v15 =	vshll.u32 v18, $0x10;
	v17 =	vand.u32 $0xFFFF0000, v18;
	v16 =	vadd.f32 v16, v14  }
0x7f: {  	s10 =	sadd.s32 $0x4, s7;
	s13 =	sadd.s32 $0x7, s7;
	s2 =	simm.s32 $0x5AC0;
	v15 =	vadd.f32 v17, v15;
	v17 =	vperm.xlane v13, v0;
	v14 =	vadd.f32 v63, v19  }
.LBB2_4:
0x80: {  	v18 =	vld [tilespmem:s2+$0x40];
	v19 =	vmov s10;
	s10 =	sadd.s32 $0x5, s7;
	v20 =	vperm.xlane v16, v0;
	s14 =	sadd.s32 $0x6, s7;
	v21 =	vmov s13;
	s7 =	smov.u32 s1  }
0x81: {  	v22 =	vld [tilespmem:s2+$0x50];
	v23 =	vperm.xlane v15, v0;
	v13 =	vadd.f32 v13, v17;
	v17 =	vperm.xlane v14, v3  }
0x82: {  	v25 =	vmov s10;
	v24 =	vld [tilespmem:s2+$0x60];
	v16 =	vadd.f32 v16, v20;
	v20 =	vmov s14;
	[tilespmem:v12+s22+$0x0] =	vst.idx.msk $0x1, v11  }
0x83: {  	s1 =	sadd.s32 $0x4, s1;
	v11 =	vld [tilespmem:s2+$0x70];
	v12 =	vadd.f32 v15, v23;
	v15 =	vperm.xlane v13, v1;
	v14 =	vadd.f32 v14, v17  }
0x84: {  	p0 =	slt.u32 s1, $0x10;
	v19 =	vand.u32 $0xFFFFFFFC, v19;
	v23 =	vand.u32 $0xFFFFFFFD, v25;
	v17 =	vld [tilespmem:s2+$0xFFFFFF90];
	v25 =	vperm.xlane v16, v1  }
0x85: {  	v26 =	vld [tilespmem:s2+$0xFFFFFFA0];
	v27 =	vperm.xlane v12, v1;
	v13 =	vadd.f32 v13, v15;
	v15 =	vand.u32 $0xFFFFFFFE, v20;
	[tilespmem:v21+s22+$0x0] =	vst.idx.msk $0x1, v14  }
0x86: {  	v8 =	vadd.f32 v8, v9;
	v19 =	vbroadcast v19, $0x0;
	v14 =	vld [tilespmem:s2+$0xFFFFFFB0];
	v16 =	vadd.f32 v16, v25  }
0x87: {  	v18 =	vmul.bf16 v18, v4;
	v20 =	vmul.bf16 v22, v5;
	v9 =	vld [tilespmem:s2+$0xFFFFFFC0];
	v12 =	vadd.f32 v12, v27  }
0x88: {  	v22 =	vmul.bf16 v24, v6;
	v21 =	vld [tilespmem:s2+$0xFFFFFFD0];
	v11 =	vmul.bf16 v11, v7;
	[tilespmem:v10+s22+$0x0] =	vst.idx.msk $0x1, v8  }
0x89: {  	v10 =	vmul.bf16 v17, v5;
	v8 =	vld [tilespmem:s2+$0xFFFFFFE0];
	v17 =	vperm.xlane v12, v2  }
0x8a: {  	v18 =	vadd.bf16 v20, v18;
	v24 =	vmul.bf16 v26, v6;
	v25 =	vld [tilespmem:s2+$0xFFFFFFF0];
	v11 =	vadd.bf16 v11, v22  }
0x8b: {  	v14 =	vmul.bf16 v14, v7;
	v20 =	vld [tilespmem:s2+$0x0];
	v12 =	vadd.f32 v12, v17;
	v17 =	vperm.xlane v13, v2  }
0x8c: {  	v9 =	vmul.bf16 v9, v4;
	v22 =	vld [tilespmem:s2+$0x10];
	v11 =	vadd.bf16 v11, v18;
	v18 =	vperm.xlane v16, v2  }
0x8d: {  	v14 =	vadd.bf16 v14, v24;
	v21 =	vmul.bf16 v21, v5;
	v24 =	vld [tilespmem:s2+$0x20];
	v13 =	vadd.f32 v13, v17  }
0x8e: {  	v17 =	vmul.bf16 v8, v6;
	v26 =	vld [tilespmem:s2+$0x30];
	v8 =	vshll.u32 v11, $0x10;
	v11 =	vand.u32 $0xFFFF0000, v11  }
0x8f: {  	v27 =	vld [tilespmem:s2+$0xFFFFFF80];
	v25 =	vmul.bf16 v25, v7;
	v9 =	vadd.bf16 v21, v9;
	v11 =	vadd.f32 v11, v8  }
0x90: {  	v21 =	vperm.xlane v12, v3;
	v8 =	vadd.f32 v16, v18;
	v20 =	vmul.bf16 v20, v4  }
0x91: {  	v16 =	vadd.bf16 v25, v17;
	v17 =	vmul.bf16 v22, v5;
	v18 =	vperm.xlane v11, v0  }
0x92: {  	v12 =	vadd.f32 v12, v21;
	v21 =	vperm.xlane v13, v3;
	v22 =	vmul.bf16 v24, v6  }
0x93: {  	v24 =	vmul.bf16 v26, v7;
	v17 =	vadd.bf16 v17, v20;
	v18 =	vadd.f32 v11, v18  }
0x94: {  	v16 =	vadd.bf16 v16, v9;
	v9 =	vperm.xlane v8, v3;
	v20 =	vmul.bf16 v27, v4  }
0x95: {  	v11 =	vadd.f32 v13, v21;
	v22 =	vadd.bf16 v24, v22;
	v24 =	vperm.xlane v18, v1  }
0x96: {  	v13 =	vshll.u32 v16, $0x10;
	v16 =	vand.u32 $0xFFFF0000, v16;
	v10 =	vadd.bf16 v10, v20;
	[tilespmem:v19+s22+$0x0] =	vst.idx.msk $0x1, v12  }
.Ltmp4:
0x97: {  	v12 =	vbroadcast v23, $0x0;
	v17 =	vadd.bf16 v22, v17;
	v18 =	vadd.f32 v18, v24;
	(pc) =	sbr.rel @p0 .LBB2_4-.Ltmp4, $4  }
0x98: {  	v13 =	vadd.f32 v16, v13;
	v14 =	vadd.bf16 v14, v10;
	v10 =	vbroadcast v15, $0x0  }
0x99: {  	v15 =	vshll.u32 v17, $0x10;
	v16 =	vand.u32 $0xFFFF0000, v17;
	v19 =	vperm.xlane v18, v2  }
0x9a: {  	s7 =	sadd.s32 s7, s30;
	v17 =	vshll.u32 v14, $0x10;
	v14 =	vand.u32 $0xFFFF0000, v14;
	v16 =	vadd.f32 v16, v15  }
0x9b: {  	s10 =	sadd.s32 $0x4, s7;
	s13 =	sadd.s32 $0x7, s7;
	s2 =	sadd.s32 $0x100, s2;
	v15 =	vadd.f32 v14, v17;
	v17 =	vperm.xlane v13, v0;
	v14 =	vadd.f32 v18, v19  }
0x9c: {  	v19 =	vperm.xlane v16, v0  }
0x9d: {  	v18 =	vperm.xlane v15, v0;
	v13 =	vadd.f32 v13, v17  }
0x9e: {  	v16 =	vadd.f32 v16, v19  }
0x9f: {  	v15 =	vadd.f32 v15, v18;
	v20 =	vperm.xlane v13, v1  }
0xa0: {  	v39 =	vmov s10;
	v40 =	vmov s13;
	v22 =	vperm.xlane v16, v1  }
0xa1: {  	s2 =	sadd.s32 $0x6, s7;
	v8 =	vadd.f32 v8, v9;
	v17 =	vperm.xlane v15, v1;
	v13 =	vadd.f32 v13, v20  }
0xa2: {  	s1 =	sadd.s32 $0x5, s7;
	v21 =	vperm.xlane v14, v3;
	v23 =	vmov s2;
	v16 =	vadd.f32 v16, v22  }
0xa3: {  	v15 =	vadd.f32 v15, v17;
	v17 =	vmov s1;
	v42 =	vperm.xlane v13, v2  }
0xa4: {  	v44 =	vand.u32 $0xFFFFFFFE, v23;
	v17 =	vand.u32 $0xFFFFFFFD, v17;
	v43 =	vperm.xlane v16, v2  }
0xa5: {  	v41 =	vperm.xlane v15, v2;
	v13 =	vadd.f32 v13, v42;
	v17 =	vbroadcast v17, $0x0  }
0xa6: {  	v18 =	vand.u32 $0xFFFFFFFC, v39;
	v46 =	vbroadcast v44, $0x0;
	v16 =	vadd.f32 v16, v43  }
0xa7: {  	v18 =	vbroadcast v18, $0x0;
	v15 =	vadd.f32 v15, v41;
	v9 =	vperm.xlane v13, v3  }
0xa8: {  	[tilespmem:v12+s22+$0x0] =	vst.idx.msk $0x1, v11;
	v14 =	vadd.f32 v14, v21;
	v12 =	vperm.xlane v16, v3  }
0xa9: {  	[tilespmem:v10+s22+$0x0] =	vst.idx.msk $0x1, v8;
	v45 =	vperm.xlane v15, v3;
	v8 =	vadd.f32 v13, v9  }
0xaa: {  	[tilespmem:v40+s22+$0x0] =	vst.idx.msk $0x1, v14;
	v9 =	vadd.f32 v16, v12  }
0xab: {  	v11 =	vadd.f32 v15, v45;
	[tilespmem:v17+s22+$0x0] =	vst.idx.msk $0x1, v8  }
0xac: {  	[tilespmem:v46+s22+$0x0] =	vst.idx.msk $0x1, v9  }
0xad: {  	s7 =	simm.s32 $0x5EB0;
	[tilespmem:v18+s22+$0x0] =	vst.idx.msk $0x1, v11  }
0xae: {  	v8 =	vld [tilespmem:s7+$0xFFFFFFD0]  }
0xaf: {  	v9 =	vld [tilespmem:s7+$0xFFFFFFE0]  }
0xb0: {  	v10 =	vld [tilespmem:s7+$0xFFFFFFF0]  }
0xb1: {  	v11 =	vld [tilespmem:s7+$0x0]  }
0xb2: {  	v12 =	vld [tilespmem:s7+$0xFFFFFEA0]  }
0xb3: {  	v13 =	vld [tilespmem:s7+$0xFFFFFEB0]  }
0xb4: {  	v14 =	vld [tilespmem:s7+$0xFFFFFEC0]  }
0xb5: {  	v15 =	vld [tilespmem:s7+$0xFFFFFED0]  }
0xb6: {  	v16 =	vld [tilespmem:s7+$0xFFFFFEE0];
	v8 =	vmul.bf16 v8, v4;
	v9 =	vmul.bf16 v9, v5  }
0xb7: {  	v17 =	vld [tilespmem:s7+$0xFFFFFEF0];
	v10 =	vmul.bf16 v10, v6;
	v11 =	vmul.bf16 v11, v7  }
0xb8: {  	v18 =	vld [tilespmem:s7+$0xFFFFFF00]  }
0xb9: {  	v19 =	vld [tilespmem:s7+$0xFFFFFF40];
	v8 =	vadd.bf16 v9, v8;
	v9 =	vadd.bf16 v11, v10  }
0xba: {  	v50 =	vld [tilespmem:s7+$0xFFFFFF80]  }
0xbb: {  	v14 =	vmul.bf16 v14, v7;
	v10 =	vld [tilespmem:s7+$0xFFFFFF10];
	v8 =	vadd.bf16 v9, v8  }
0xbc: {  	v15 =	vmul.bf16 v15, v4;
	v16 =	vmul.bf16 v16, v5;
	v11 =	vld [tilespmem:s7+$0xFFFFFF20]  }
0xbd: {  	v55 =	vld [tilespmem:s7+$0xFFFFFFC0];
	v17 =	vmul.bf16 v17, v6;
	v47 =	vshll.u32 v8, $0x10;
	v8 =	vand.u32 $0xFFFF0000, v8  }
0xbe: {  	v9 =	vmul.bf16 v12, v5;
	v12 =	vmul.bf16 v13, v6;
	v13 =	vld [tilespmem:s7+$0xFFFFFF30];
	v8 =	vadd.f32 v8, v47  }
0xbf: {  	v48 =	vld [tilespmem:s7+$0xFFFFFF50];
	v18 =	vmul.bf16 v18, v7;
	v19 =	vmul.bf16 v19, v7  }
0xc0: {  	v49 =	vld [tilespmem:s7+$0xFFFFFF60];
	v12 =	vadd.bf16 v14, v12;
	v14 =	vadd.bf16 v16, v15;
	v16 =	vperm.xlane v8, v0  }
0xc1: {  	v17 =	vadd.bf16 v18, v17;
	v15 =	vld [tilespmem:s7+$0xFFFFFF70];
	v10 =	vmul.bf16 v10, v4;
	v11 =	vmul.bf16 v11, v5  }
0xc2: {  	v52 =	vld [tilespmem:s7+$0xFFFFFFB0];
	v57 =	vmul.bf16 v55, v7;
	v18 =	vmul.bf16 v50, v7;
	v8 =	vadd.f32 v8, v16  }
0xc3: {  	v51 =	vld [tilespmem:s7+$0xFFFFFF90];
	v13 =	vmul.bf16 v13, v6;
	v10 =	vadd.bf16 v11, v10;
	v11 =	vadd.bf16 v17, v14  }
0xc4: {  	v14 =	vmul.bf16 v48, v4;
	v16 =	vld [tilespmem:s7+$0xFFFFFFA0];
	v53 =	vperm.xlane v8, v1  }
0xc5: {  	v17 =	vmul.bf16 v49, v5;
	v13 =	vadd.bf16 v19, v13;
	v54 =	vshll.u32 v11, $0x10  }
0xc6: {  	v24 =	vld [tilespmem:s7+$0xFFFFFE90];
	v11 =	vand.u32 $0xFFFF0000, v11;
	v15 =	vmul.bf16 v15, v6;
	v8 =	vadd.f32 v8, v53  }
0xc7: {  	v14 =	vadd.bf16 v17, v14;
	v19 =	vmul.bf16 v52, v6;
	v11 =	vadd.f32 v11, v54  }
0xc8: {  	v10 =	vadd.bf16 v13, v10;
	v13 =	vmul.bf16 v51, v4;
	v17 =	vperm.xlane v8, v2  }
0xc9: {  	v15 =	vadd.bf16 v18, v15;
	v59 =	vperm.xlane v11, v0;
	v16 =	vmul.bf16 v16, v5  }
0xca: {  	s10 =	sadd.s32 $0xE, s29;
	v56 =	vshll.u32 v10, $0x10;
	v10 =	vand.u32 $0xFFFF0000, v10;
	v8 =	vadd.f32 v8, v17  }
0xcb: {  	s14 =	sadd.s32 $0xFFFFFFF7, s10;
	v14 =	vadd.bf16 v15, v14;
	v13 =	vadd.bf16 v16, v13;
	v16 =	vmul.bf16 v24, v4  }
0xcc: {  	v15 =	vmov s14;
	v17 =	vadd.bf16 v57, v19;
	v58 =	vperm.xlane v8, v3  }
0xcd: {  	v10 =	vadd.f32 v10, v56;
	v9 =	vadd.bf16 v9, v16;
	v16 =	vshll.u32 v14, $0x10  }
0xce: {  	v14 =	vand.u32 $0xFFFF0000, v14;
	v13 =	vadd.bf16 v17, v13;
	v17 =	vadd.f32 v8, v58  }
0xcf: {  	v8 =	vadd.bf16 v12, v9;
	v9 =	vperm.xlane v10, v0;
	v12 =	vadd.f32 v14, v16  }
0xd0: {  	v14 =	vadd.f32 v11, v59;
	v11 =	vshll.u32 v13, $0x10;
	v13 =	vand.u32 $0xFFFF0000, v13  }
0xd1: {  	p0 =	por $0x1, $0x1;
	v13 =	vadd.f32 v13, v11;
	v16 =	vshll.u32 v8, $0x10;
	v8 =	vand.u32 $0xFFFF0000, v8  }
.Ltmp5:
0xd2: {  	s17 =	sadd.s32 $0xFFFFFFF2, s10;
	v60 =	vadd.f32 v10, v9;
	v9 =	vperm.xlane v12, v0;
	v16 =	vadd.f32 v8, v16;
	(pc) =	sbr.rel @!p0 .LBB2_7-.Ltmp5, $4  }
0xd3: {  	v10 =	vperm.xlane v14, v1;
	v8 =	vmov s17;
	v61 =	vperm.xlane v13, v0  }
0xd4: {  	s25 =	simm.s32 $0x14;
	s18 =	sadd.s32 $0xFFFFFFF4, s10;
	v63 =	vperm.xlane v60, v1;
	v11 =	vadd.f32 v12, v9;
	v62 =	vperm.xlane v16, v0  }
0xd5: {  	s13 =	sadd.s32 $0xFFFFFFF3, s10;
	s2 =	sadd.s32 $0xFFFFFFF5, s10;
	s1 =	simm.s32 $0x6030;
	[tilespmem:v15+s23+$0x0] =	vst.idx.msk $0x1, v17;
	v10 =	vadd.f32 v14, v10;
	v9 =	vmov s18;
	v12 =	vadd.f32 v13, v61  }
0xd6: {  	s7 =	simm.s32 $0x5E;
	s14 =	sadd.s32 $0xFFFFFFF6, s10;
	s10 =	simm.s32 $0x74E0;
	v13 =	vadd.f32 v60, v63;
	v15 =	vperm.xlane v11, v1;
	v14 =	vadd.f32 v16, v62  }
.LBB2_6:
0xd7: {  	v16 =	vld [tilespmem:s1+$0xFFFFFFD0];
	v17 =	vperm.xlane v10, v2;
	v18 =	vperm.xlane v12, v1;
	v19 =	vmov s14;
	s14 =	smov.u32 s25  }
0xd8: {  	v20 =	vld [tilespmem:s1+$0xFFFFFFE0];
	v21 =	vperm.xlane v14, v1;
	v22 =	vperm.xlane v13, v2;
	v11 =	vadd.f32 v11, v15  }
0xd9: {  	v8 =	vand.u32 $0xFFFFFFFE, v8;
	v15 =	vld [tilespmem:s1+$0xFFFFFFF0];
	v10 =	vadd.f32 v10, v17;
	v12 =	vadd.f32 v12, v18  }
0xda: {  	s25 =	sadd.s32 $0x6, s25;
	v17 =	vld [tilespmem:s1+$0x0];
	v14 =	vadd.f32 v14, v21;
	v13 =	vadd.f32 v13, v22;
	v18 =	vperm.xlane v11, v2  }
0xdb: {  	v9 =	vand.u32 $0xFFFFFFFE, v9;
	p0 =	slt.u32 s25, $0x68;
	v21 =	vld [tilespmem:s1+$0xFFFFFEA0];
	v22 =	vperm.xlane v10, v3;
	v23 =	vperm.xlane v12, v2  }
0xdc: {  	v24 =	vld [tilespmem:s1+$0xFFFFFEB0];
	v25 =	vperm.xlane v14, v2;
	v26 =	vperm.xlane v13, v3;
	v11 =	vadd.f32 v11, v18  }
0xdd: {  	v19 =	vand.u32 $0xFFFFFFFE, v19;
	v18 =	vld [tilespmem:s1+$0xFFFFFEC0];
	v10 =	vadd.f32 v10, v22;
	v12 =	vadd.f32 v12, v23  }
0xde: {  	v16 =	vmul.bf16 v16, v4;
	v20 =	vmul.bf16 v20, v5;
	v22 =	vld [tilespmem:s1+$0xFFFFFED0];
	v14 =	vadd.f32 v14, v25  }
0xdf: {  	v15 =	vmul.bf16 v15, v6;
	v13 =	vadd.f32 v13, v26;
	v23 =	vld [tilespmem:s1+$0xFFFFFEE0];
	v17 =	vmul.bf16 v17, v7  }
0xe0: {  	v27 =	vmov s13;
	v21 =	vmul.bf16 v21, v5;
	v25 =	vld [tilespmem:s1+$0xFFFFFEF0];
	v26 =	vperm.xlane v14, v3  }
0xe1: {  	v16 =	vadd.bf16 v20, v16;
	v24 =	vmul.bf16 v24, v6;
	v28 =	vld [tilespmem:s1+$0xFFFFFF00];
	v15 =	vadd.bf16 v17, v15  }
0xe2: {  	v20 =	vperm.xlane v11, v3;
	v17 =	vmul.bf16 v18, v7;
	v18 =	vld [tilespmem:s1+$0xFFFFFF10];
	v14 =	vadd.f32 v14, v26  }
0xe3: {  	v22 =	vmul.bf16 v22, v4;
	v26 =	vld [tilespmem:s1+$0xFFFFFF20];
	v15 =	vadd.bf16 v15, v16;
	v16 =	vperm.xlane v12, v3  }
0xe4: {  	v11 =	vadd.f32 v11, v20;
	v17 =	vadd.bf16 v17, v24;
	v23 =	vmul.bf16 v23, v5;
	v24 =	vld [tilespmem:s1+$0xFFFFFF30]  }
0xe5: {  	v20 =	vmul.bf16 v25, v6;
	v25 =	vld [tilespmem:s1+$0xFFFFFF40];
	v29 =	vshll.u32 v15, $0x10;
	v15 =	vand.u32 $0xFFFF0000, v15;
	[tilespmem:v27+s23+$0x0] =	vst.idx.msk $0x1, v10  }
0xe6: {  	v10 =	vmul.bf16 v28, v7;
	v22 =	vadd.bf16 v23, v22;
	v23 =	vld [tilespmem:s1+$0xFFFFFF50];
	v15 =	vadd.f32 v15, v29  }
0xe7: {  	v8 =	vbroadcast v8, $0x0;
	v12 =	vadd.f32 v12, v16;
	v18 =	vmul.bf16 v18, v4;
	v27 =	vld [tilespmem:s1+$0xFFFFFF60]  }
0xe8: {  	v10 =	vadd.bf16 v10, v20;
	v16 =	vmul.bf16 v26, v5;
	v20 =	vld [tilespmem:s1+$0xFFFFFF70];
	v26 =	vperm.xlane v15, v0  }
0xe9: {  	v9 =	vbroadcast v9, $0x0;
	v29 =	vmov s2;
	v24 =	vmul.bf16 v24, v6;
	v28 =	vld [tilespmem:s1+$0xFFFFFF80]  }
0xea: {  	v25 =	vmul.bf16 v25, v7;
	v16 =	vadd.bf16 v16, v18;
	v18 =	vld [tilespmem:s1+$0xFFFFFF90];
	v15 =	vadd.f32 v15, v26  }
0xeb: {  	v19 =	vbroadcast v19, $0x0;
	v10 =	vadd.bf16 v10, v22;
	v22 =	vmul.bf16 v23, v4;
	v23 =	vld [tilespmem:s1+$0xFFFFFFA0]  }
0xec: {  	v24 =	vadd.bf16 v25, v24;
	v25 =	vmul.bf16 v27, v5;
	v26 =	vld [tilespmem:s1+$0xFFFFFFB0];
	v27 =	vperm.xlane v15, v1  }
0xed: {  	v30 =	vshll.u32 v10, $0x10;
	v10 =	vand.u32 $0xFFFF0000, v10;
	v20 =	vmul.bf16 v20, v6;
	v31 =	vld [tilespmem:s1+$0xFFFFFFC0];
	[tilespmem:v8+s23+$0x0] =	vst.idx.msk $0x1, v14  }
0xee: {  	v8 =	vld [tilespmem:s1+$0xFFFFFE90];
	v14 =	vmul.bf16 v28, v7;
	v22 =	vadd.bf16 v25, v22;
	v15 =	vadd.f32 v15, v27  }
0xef: {  	v10 =	vadd.f32 v10, v30;
	v16 =	vadd.bf16 v24, v16;
	v18 =	vmul.bf16 v18, v4  }
0xf0: {  	v14 =	vadd.bf16 v14, v20;
	v20 =	vmul.bf16 v23, v5;
	v23 =	vperm.xlane v15, v2  }
0xf1: {  	s14 =	sadd.s32 s14, s29;
	v24 =	vshll.u32 v16, $0x10;
	v16 =	vand.u32 $0xFFFF0000, v16;
	v25 =	vmul.bf16 v26, v6;
	[tilespmem:v9+s23+$0x0] =	vst.idx.msk $0x1, v13  }
0xf2: {  	s17 =	sadd.s32 $0xFFFFFFF2, s14;
	s18 =	sadd.s32 $0xFFFFFFF4, s14;
	s3 =	sadd.s32 $0xFFFFFFF7, s14;
	v9 =	vmul.bf16 v31, v7;
	v13 =	vadd.bf16 v20, v18;
	v15 =	vadd.f32 v15, v23  }
0xf3: {  	s13 =	sadd.s32 $0xFFFFFFF3, s14;
	s2 =	sadd.s32 $0xFFFFFFF5, s14;
	s14 =	sadd.s32 $0xFFFFFFF6, s14;
	v14 =	vadd.bf16 v14, v22;
	v18 =	vmov s3;
	v8 =	vmul.bf16 v8, v4;
	[tilespmem:v29+s23+$0x0] =	vst.idx.msk $0x1, v11  }
0xf4: {  	v11 =	vadd.f32 v16, v24;
	v9 =	vadd.bf16 v9, v25;
	v16 =	vperm.xlane v15, v3  }
0xf5: {  	v20 =	vshll.u32 v14, $0x10;
	v14 =	vand.u32 $0xFFFF0000, v14;
	v8 =	vadd.bf16 v21, v8;
	[tilespmem:v19+s23+$0x0] =	vst.idx.msk $0x1, v12  }
0xf6: {  	v12 =	vperm.xlane v10, v0;
	v9 =	vadd.bf16 v9, v13;
	v13 =	vadd.f32 v15, v16  }
0xf7: {  	v14 =	vadd.f32 v14, v20;
	v15 =	vperm.xlane v11, v0;
	v8 =	vadd.bf16 v17, v8  }
0xf8: {  	v10 =	vadd.f32 v10, v12;
	v12 =	vshll.u32 v9, $0x10;
	v9 =	vand.u32 $0xFFFF0000, v9;
	[tilespmem:v18+s23+$0x0] =	vst.idx.msk $0x1, v13  }
0xf9: {  	v13 =	vshll.u32 v8, $0x10;
	v8 =	vand.u32 $0xFFFF0000, v8;
	v12 =	vadd.f32 v9, v12  }
.Ltmp6:
0xfa: {  	v15 =	vadd.f32 v11, v15;
	v9 =	vperm.xlane v14, v0;
	v13 =	vadd.f32 v8, v13;
	(pc) =	sbr.rel @p0 .LBB2_6-.Ltmp6, $4  }
0xfb: {  	v16 =	vperm.xlane v10, v1;
	v8 =	vmov s17;
	v17 =	vperm.xlane v12, v0  }
0xfc: {  	v19 =	vperm.xlane v15, v1;
	v11 =	vadd.f32 v14, v9;
	v18 =	vperm.xlane v13, v0  }
0xfd: {  	v10 =	vadd.f32 v10, v16;
	v9 =	vmov s18;
	v12 =	vadd.f32 v12, v17  }
0xfe: {  	s1 =	sadd.s32 $0x180, s1;
	v14 =	vadd.f32 v13, v18;
	v13 =	vadd.f32 v15, v19;
	v15 =	vperm.xlane v11, v1  }
.LBB2_7:
0xff: {  	_ = 	snop  }
0x100: {  	v17 =	vperm.xlane v10, v2;
	v16 =	vperm.xlane v14, v1  }
0x101: {  	v18 =	vperm.xlane v12, v1;
	v8 =	vand.u32 $0xFFFFFFFE, v8;
	v9 =	vand.u32 $0xFFFFFFFE, v9  }
0x102: {  	v20 =	vperm.xlane v13, v2;
	v11 =	vadd.f32 v11, v15;
	v14 =	vadd.f32 v14, v16  }
0x103: {  	v8 =	vbroadcast v8, $0x0;
	v9 =	vbroadcast v9, $0x0;
	v10 =	vadd.f32 v10, v17  }
0x104: {  	v12 =	vadd.f32 v12, v18;
	v13 =	vadd.f32 v13, v20;
	v16 =	vperm.xlane v14, v2  }
0x105: {  	v19 =	vmov s14;
	v15 =	vperm.xlane v11, v2;
	v17 =	vperm.xlane v10, v3  }
0x106: {  	v18 =	vperm.xlane v12, v2;
	v20 =	vperm.xlane v13, v3;
	v14 =	vadd.f32 v14, v16  }
0x107: {  	v11 =	vadd.f32 v11, v15;
	v15 =	vand.u32 $0xFFFFFFFE, v19;
	v16 =	vmov s13  }
0x108: {  	v10 =	vadd.f32 v10, v17;
	v12 =	vadd.f32 v12, v18;
	v17 =	vperm.xlane v14, v3  }
0x109: {  	v18 =	vmov s2;
	v15 =	vbroadcast v15, $0x0;
	v13 =	vadd.f32 v13, v20  }
0x10a: {  	v14 =	vadd.f32 v14, v17;
	v17 =	vperm.xlane v11, v3  }
0x10b: {  	v19 =	vperm.xlane v12, v3;
	[tilespmem:v9+s23+$0x0] =	vst.idx.msk $0x1, v13  }
0x10c: {  	[tilespmem:v16+s23+$0x0] =	vst.idx.msk $0x1, v10;
	v55 =	vadd.f32 v11, v17  }
0x10d: {  	[tilespmem:v8+s23+$0x0] =	vst.idx.msk $0x1, v14;
	v8 =	vadd.f32 v12, v19  }
0x10e: {  	[tilespmem:v18+s23+$0x0] =	vst.idx.msk $0x1, v55  }
0x10f: {  	[tilespmem:v15+s23+$0x0] =	vst.idx.msk $0x1, v8  }
0x110: {  	v8 =	vld [tilespmem:s10+$0x60]  }
0x111: {  	v9 =	vld [tilespmem:s10+$0x70]  }
0x112: {  	v10 =	vld [tilespmem:s10+$0x80]  }
0x113: {  	v56 =	vld [tilespmem:s10+$0x90]  }
0x114: {  	v13 =	vld [tilespmem:s10+$0xFFFFFF80]  }
0x115: {  	v14 =	vld [tilespmem:s10+$0xFFFFFF90]  }
0x116: {  	v15 =	vld [tilespmem:s10+$0xFFFFFFA0]  }
0x117: {  	v16 =	vld [tilespmem:s10+$0xFFFFFFB0]  }
0x118: {  	v17 =	vld [tilespmem:s10+$0xFFFFFFC0];
	v8 =	vmul.bf16 v8, v4;
	v9 =	vmul.bf16 v9, v5  }
0x119: {  	v18 =	vld [tilespmem:s10+$0xFFFFFFD0];
	v10 =	vmul.bf16 v10, v6;
	v11 =	vmul.bf16 v56, v7;
	_ =	sdelay $0x1  }
0x11a: {  	v58 =	vld [tilespmem:s10+$0xFFFFFFE0];
	v8 =	vadd.bf16 v9, v8;
	v57 =	vadd.bf16 v11, v10  }
0x11b: {  	v59 =	vld [tilespmem:s10+$0xFFFFFFF0];
	v60 =	vmul.bf16 v13, v6;
	v14 =	vmul.bf16 v14, v7  }
0x11c: {  	v19 =	vld [tilespmem:s10+$0x10];
	v15 =	vmul.bf16 v15, v4;
	v16 =	vmul.bf16 v16, v5;
	v8 =	vadd.bf16 v57, v8  }
0x11d: {  	v13 =	vld [tilespmem:s10+$0x0];
	v17 =	vmul.bf16 v17, v6;
	v18 =	vmul.bf16 v18, v7  }
0x11e: {  	v21 =	vld [tilespmem:s10+$0x20];
	v9 =	vadd.bf16 v14, v60;
	v20 =	vshll.u32 v8, $0x10;
	v8 =	vand.u32 $0xFFFF0000, v8  }
0x11f: {  	v14 =	vadd.bf16 v16, v15;
	v15 =	vld [tilespmem:s10+$0x40];
	v8 =	vadd.f32 v8, v20  }
0x120: {  	v10 =	vmul.bf16 v58, v4;
	v17 =	vadd.bf16 v18, v17;
	v18 =	vld [tilespmem:s10+$0x50]  }
0x121: {  	v11 =	vmul.bf16 v59, v5;
	v20 =	vld [tilespmem:s10+$0x30];
	v16 =	vperm.xlane v8, v0  }
0x122: {  	v12 =	vld [tilespmem:s10+$0xFFFFFF70];
	v19 =	vmul.bf16 v19, v7;
	v61 =	vadd.bf16 v17, v14;
	v13 =	vmul.bf16 v13, v6  }
0x123: {  	v22 =	vld [tilespmem:s10+$0xFFFFFF60];
	v10 =	vadd.bf16 v11, v10;
	v8 =	vadd.f32 v8, v16  }
0x124: {  	v14 =	vmul.bf16 v21, v4;
	v11 =	vand.u32 $0xFFFF0000, v61;
	v13 =	vadd.bf16 v19, v13  }
0x125: {  	v19 =	vshll.u32 v61, $0x10;
	v15 =	vmul.bf16 v15, v6;
	v16 =	vperm.xlane v8, v1  }
0x126: {  	v10 =	vadd.bf16 v13, v10;
	v17 =	vmul.bf16 v20, v5;
	v20 =	vmul.bf16 v18, v7  }
0x127: {  	v12 =	vmul.bf16 v12, v5;
	v18 =	vadd.f32 v11, v19;
	v8 =	vadd.f32 v8, v16  }
0x128: {  	v14 =	vadd.bf16 v17, v14;
	v62 =	vadd.bf16 v20, v15;
	v16 =	vmul.bf16 v22, v4  }
0x129: {  	s25 =	sadd.s32 $0xFFFFFFA2, s7;
	v15 =	vshll.u32 v10, $0x10;
	v10 =	vand.u32 $0xFFFF0000, v10;
	v13 =	vperm.xlane v8, v2  }
0x12a: {  	p1 =	slt.u32 s25, $0x69;
	v21 =	vadd.f32 v10, v15;
	v12 =	vadd.bf16 v12, v16  }
.Ltmp7:
0x12b: {  	v11 =	vadd.bf16 v62, v14;
	v8 =	vadd.f32 v8, v13;
	(pc) =	sbr.rel @!p1 .LBB2_8-.Ltmp7, $4  }
0x12c: {  	v20 =	vperm.xlane v18, v0;
	v24 =	vperm.xlane v21, v0;
	v9 =	vadd.bf16 v9, v12  }
0x12d: {  	s1 =	sadd.s32 s7, s29;
	v63 =	vshll.u32 v11, $0x10;
	v11 =	vand.u32 $0xFFFF0000, v11;
	v12 =	vperm.xlane v8, v3  }
0x12e: {  	p0 =	por $0x0, $0x0;
	s17 =	sadd.s32 $0xFFFFFFFC, s1;
	s14 =	sadd.s32 $0xFFFFFFFD, s1;
	v22 =	vadd.f32 v11, v63;
	v14 =	vshll.u32 v9, $0x10;
	v9 =	vand.u32 $0xFFFF0000, v9  }
0x12f: {  	s25 =	sadd.s32 $0xFFFFFFFF, s1;
	s2 =	sadd.s32 $0x140, s10;
	s13 =	sadd.s32 $0xFFFFFFFE, s1;
	v13 =	vmov s1;
	v23 =	vadd.f32 v9, v14;
	v15 =	vadd.f32 v8, v12  }
0x130: {  	v10 =	vld [tilespmem:s2+$0x60]  }
0x131: {  	v11 =	vld [tilespmem:s2+$0x70]  }
0x132: {  	v16 =	vld [tilespmem:s2+$0x80]  }
0x133: {  	v9 =	vperm.xlane v22, v0;
	v19 =	vld [tilespmem:s2+$0x90];
	v12 =	vperm.xlane v23, v0  }
0x134: {  	v8 =	vadd.f32 v18, v20;
	v14 =	vadd.f32 v21, v24;
	v20 =	vld [tilespmem:s2+$0xFFFFFF70]  }
0x135: {  	v25 =	vld [tilespmem:s2+$0xFFFFFF90];
	v18 =	vadd.f32 v22, v9;
	v12 =	vadd.f32 v23, v12  }
0x136: {  	v29 =	vld [tilespmem:s2+$0xFFFFFFC0];
	v17 =	vperm.xlane v8, v1;
	v9 =	vperm.xlane v14, v1  }
0x137: {  	v30 =	vld [tilespmem:s2+$0x0];
	v22 =	vmov s17;
	v21 =	vperm.xlane v18, v1;
	v24 =	vperm.xlane v12, v1  }
0x138: {  	v59 =	vld [tilespmem:s2+$0x50];
	v17 =	vadd.f32 v8, v17;
	v27 =	vmul.bf16 v10, v4;
	v28 =	vmul.bf16 v11, v5  }
0x139: {  	v60 =	vld [tilespmem:s2+$0xFFFFFF60];
	v8 =	vmov s14;
	v16 =	vmul.bf16 v16, v6;
	v19 =	vmul.bf16 v19, v7  }
0x13a: {  	v14 =	vadd.f32 v14, v9;
	v20 =	vmul.bf16 v20, v5;
	v25 =	vmul.bf16 v25, v7  }
0x13b: {  	v23 =	vld [tilespmem:s2+$0xFFFFFF80];
	v29 =	vmul.bf16 v29, v6;
	v26 =	vperm.xlane v17, v2;
	v12 =	vadd.f32 v12, v24  }
0x13c: {  	v58 =	vmul.bf16 v30, v6;
	v18 =	vadd.f32 v18, v21;
	v21 =	vld [tilespmem:s2+$0xFFFFFFA0];
	v27 =	vadd.bf16 v28, v27  }
0x13d: {  	v24 =	vld [tilespmem:s2+$0xFFFFFFB0];
	v16 =	vadd.bf16 v19, v16;
	v11 =	vadd.f32 v17, v26;
	v17 =	vperm.xlane v12, v2  }
0x13e: {  	v9 =	vmov s13;
	v30 =	vmul.bf16 v59, v7;
	v62 =	vmul.bf16 v60, v4;
	v26 =	vld [tilespmem:s2+$0xFFFFFFD0]  }
0x13f: {  	v19 =	vld [tilespmem:s2+$0xFFFFFFE0];
	v16 =	vadd.bf16 v16, v27;
	v17 =	vadd.f32 v12, v17;
	v12 =	vperm.xlane v14, v2  }
0x140: {  	v10 =	vmov s25;
	v23 =	vmul.bf16 v23, v6;
	v27 =	vperm.xlane v18, v2  }
0x141: {  	v57 =	vld [tilespmem:s2+$0xFFFFFFF0];
	[tilespmem:v13+s23+$0x0] =	vst.idx.msk $0x1, v15;
	v12 =	vadd.f32 v14, v12;
	v14 =	vshll.u32 v16, $0x10;
	v16 =	vand.u32 $0xFFFF0000, v16  }
0x142: {  	v23 =	vadd.bf16 v25, v23;
	v25 =	vld [tilespmem:s2+$0x10];
	v21 =	vmul.bf16 v21, v4;
	v32 =	vadd.f32 v16, v14  }
0x143: {  	v31 =	vld [tilespmem:s2+$0x20];
	v13 =	vadd.bf16 v20, v62;
	v24 =	vmul.bf16 v24, v5;
	v26 =	vmul.bf16 v26, v7  }
0x144: {  	v16 =	vmul.bf16 v19, v4;
	v19 =	vld [tilespmem:s2+$0x30];
	v14 =	vadd.f32 v18, v27;
	v27 =	vperm.xlane v32, v0  }
0x145: {  	s1 =	sadd.s32 $0x5, s7;
	v21 =	vadd.bf16 v24, v21;
	v24 =	vperm.xlane v17, v3;
	v18 =	vadd.bf16 v26, v29;
	v26 =	vld [tilespmem:s2+$0x40]  }
0x146: {  	s3 =	sadd.s32 s1, s29;
	v28 =	vmul.bf16 v57, v5;
	v23 =	vadd.bf16 v23, v13;
	v27 =	vadd.f32 v32, v27  }
0x147: {  	v13 =	vmov s3;
	v25 =	vmul.bf16 v25, v7;
	v24 =	vadd.f32 v17, v24  }
0x148: {  	v28 =	vadd.bf16 v28, v16;
	v16 =	vperm.xlane v11, v3;
	v61 =	vperm.xlane v27, v1  }
0x149: {  	v18 =	vadd.bf16 v18, v21;
	v21 =	vmul.bf16 v31, v4;
	v25 =	vadd.bf16 v25, v58  }
0x14a: {  	v19 =	vmul.bf16 v19, v5;
	v26 =	vmul.bf16 v26, v6;
	v27 =	vadd.f32 v27, v61  }
0x14b: {  	v17 =	vperm.xlane v12, v3;
	[tilespmem:v22+s23+$0x0] =	vst.idx.msk $0x1, v24;
	v24 =	vshll.u32 v23, $0x10;
	v25 =	vadd.bf16 v25, v28  }
0x14c: {  	s7 =	sadd.s32 $0xFFFFFFA2, s1;
	v21 =	vadd.bf16 v19, v21;
	v26 =	vadd.bf16 v30, v26;
	v63 =	vperm.xlane v27, v2  }
0x14d: {  	p1 =	slt.u32 s7, $0x69;
	v19 =	vshll.u32 v18, $0x10;
	v18 =	vand.u32 $0xFFFF0000, v18;
	v15 =	vshll.u32 v25, $0x10  }
.Ltmp8:
0x14e: {  	v25 =	vand.u32 $0xFFFF0000, v25;
	v26 =	vadd.bf16 v26, v21;
	v27 =	vadd.f32 v27, v63;
	(pc) =	sbr.rel @!p1 .LBB2_11-.Ltmp8, $4  }
0x14f: {  	v23 =	vand.u32 $0xFFFF0000, v23;
	v18 =	vadd.f32 v18, v19;
	v21 =	vadd.f32 v25, v15  }
0x150: {  	v15 =	vshll.u32 v26, $0x10;
	v25 =	vand.u32 $0xFFFF0000, v26;
	v26 =	vperm.xlane v27, v3  }
0x151: {  	p0 =	por $0x1, $0x1;
	s17 =	sadd.s32 $0xFFFFFFFC, s3;
	s14 =	sadd.s32 $0xFFFFFFFD, s3;
	v23 =	vadd.f32 v23, v24;
	v20 =	vperm.xlane v18, v0;
	v22 =	vadd.f32 v25, v15  }
0x152: {  	s13 =	sadd.s32 $0xFFFFFFFE, s3;
	s25 =	sadd.s32 $0xFFFFFFFF, s3;
	s2 =	sadd.s32 $0x140, s2;
	v19 =	vperm.xlane v14, v3;
	v24 =	vperm.xlane v21, v0;
	v15 =	vadd.f32 v27, v26  }
.LBB2_10:
0x153: {  	v25 =	vld [tilespmem:s2+$0x60];
	v18 =	vadd.f32 v18, v20;
	v20 =	vperm.xlane v22, v0;
	v11 =	vadd.f32 v11, v16  }
0x154: {  	v27 =	vmov s17;
	v16 =	vld [tilespmem:s2+$0x70];
	v26 =	vperm.xlane v23, v0;
	v21 =	vadd.f32 v21, v24;
	[tilespmem:v13+s23+$0x0] =	vst.idx.msk $0x1, v15  }
0x155: {  	s1 =	sadd.s32 $0x5, s1;
	v12 =	vadd.f32 v12, v17;
	v13 =	vld [tilespmem:s2+$0x80];
	v15 =	vperm.xlane v18, v1;
	v20 =	vadd.f32 v22, v20  }
0x156: {  	v14 =	vadd.f32 v14, v19;
	s3 =	sadd.s32 $0xFFFFFFA2, s1;
	v17 =	vld [tilespmem:s2+$0x90];
	v22 =	vadd.f32 v23, v26;
	v23 =	vperm.xlane v21, v1  }
0x157: {  	p1 =	slt.u32 s3, $0x69;
	v19 =	vld [tilespmem:s2+$0xFFFFFF70];
	v15 =	vadd.f32 v18, v15;
	v18 =	vperm.xlane v20, v1;
	[tilespmem:v8+s23+$0x0] =	vst.idx.msk $0x1, v11;
	v8 =	vmov s14  }
0x158: {  	v24 =	vld [tilespmem:s2+$0xFFFFFF80];
	v11 =	vperm.xlane v22, v1;
	v21 =	vadd.f32 v21, v23;
	[tilespmem:v9+s23+$0x0] =	vst.idx.msk $0x1, v12;
	v9 =	vmov s13  }
0x159: {  	v12 =	vld [tilespmem:s2+$0xFFFFFF90];
	v23 =	vperm.xlane v15, v2;
	v18 =	vadd.f32 v20, v18;
	[tilespmem:v10+s23+$0x0] =	vst.idx.msk $0x1, v14;
	v10 =	vmov s25  }
0x15a: {  	v20 =	vmul.bf16 v25, v4;
	v16 =	vmul.bf16 v16, v5;
	v14 =	vld [tilespmem:s2+$0xFFFFFFA0];
	v22 =	vadd.f32 v22, v11  }
0x15b: {  	v13 =	vmul.bf16 v13, v6;
	v25 =	vld [tilespmem:s2+$0xFFFFFFB0];
	v17 =	vmul.bf16 v17, v7;
	v11 =	vadd.f32 v15, v23  }
0x15c: {  	v15 =	vmul.bf16 v19, v5;
	v19 =	vld [tilespmem:s2+$0xFFFFFFC0];
	v23 =	vperm.xlane v22, v2  }
0x15d: {  	v16 =	vadd.bf16 v16, v20;
	v24 =	vmul.bf16 v24, v6;
	v26 =	vld [tilespmem:s2+$0xFFFFFFD0];
	v13 =	vadd.bf16 v17, v13  }
0x15e: {  	v12 =	vmul.bf16 v12, v7;
	v17 =	vld [tilespmem:s2+$0xFFFFFFE0];
	v20 =	vadd.f32 v22, v23;
	v22 =	vperm.xlane v21, v2  }
0x15f: {  	v14 =	vmul.bf16 v14, v4;
	v23 =	vld [tilespmem:s2+$0xFFFFFFF0];
	v13 =	vadd.bf16 v13, v16;
	v16 =	vperm.xlane v18, v2  }
0x160: {  	v24 =	vadd.bf16 v12, v24;
	v25 =	vmul.bf16 v25, v5;
	v28 =	vld [tilespmem:s2+$0x0];
	v12 =	vadd.f32 v21, v22  }
0x161: {  	v19 =	vmul.bf16 v19, v6;
	v21 =	vld [tilespmem:s2+$0x10];
	v22 =	vshll.u32 v13, $0x10;
	v13 =	vand.u32 $0xFFFF0000, v13  }
0x162: {  	v26 =	vmul.bf16 v26, v7;
	v25 =	vadd.bf16 v25, v14;
	v29 =	vld [tilespmem:s2+$0x20];
	v13 =	vadd.f32 v13, v22  }
0x163: {  	v30 =	vperm.xlane v20, v3;
	v14 =	vadd.f32 v18, v16;
	v17 =	vmul.bf16 v17, v4;
	v22 =	vld [tilespmem:s2+$0x30]  }
0x164: {  	v18 =	vadd.bf16 v26, v19;
	v19 =	vmul.bf16 v23, v5;
	v23 =	vld [tilespmem:s2+$0x40];
	v26 =	vperm.xlane v13, v0  }
0x165: {  	v20 =	vadd.f32 v20, v30;
	v16 =	vperm.xlane v11, v3;
	v28 =	vmul.bf16 v28, v6;
	v31 =	vld [tilespmem:s2+$0x50]  }
0x166: {  	v30 =	vld [tilespmem:s2+$0xFFFFFF60];
	v21 =	vmul.bf16 v21, v7;
	v19 =	vadd.bf16 v19, v17;
	v13 =	vadd.f32 v13, v26  }
0x167: {  	v18 =	vadd.bf16 v18, v25;
	v17 =	vperm.xlane v12, v3;
	v25 =	vmul.bf16 v29, v4  }
0x168: {  	v21 =	vadd.bf16 v21, v28;
	v22 =	vmul.bf16 v22, v5;
	v26 =	vperm.xlane v13, v1  }
0x169: {  	v28 =	vshll.u32 v18, $0x10;
	v18 =	vand.u32 $0xFFFF0000, v18;
	v23 =	vmul.bf16 v23, v6;
	[tilespmem:v27+s23+$0x0] =	vst.idx.msk $0x1, v20  }
0x16a: {  	v20 =	vmul.bf16 v31, v7;
	v22 =	vadd.bf16 v22, v25;
	v13 =	vadd.f32 v13, v26  }
0x16b: {  	v18 =	vadd.f32 v18, v28;
	v21 =	vadd.bf16 v21, v19;
	v25 =	vmul.bf16 v30, v4  }
0x16c: {  	v19 =	vperm.xlane v14, v3;
	v23 =	vadd.bf16 v20, v23;
	v26 =	vperm.xlane v13, v2  }
0x16d: {  	v15 =	vadd.bf16 v15, v25;
	v25 =	vshll.u32 v21, $0x10;
	v21 =	vand.u32 $0xFFFF0000, v21  }
.Ltmp9:
0x16e: {  	s3 =	sadd.s32 s1, s29;
	v20 =	vperm.xlane v18, v0;
	v22 =	vadd.bf16 v23, v22;
	v26 =	vadd.f32 v13, v26;
	(pc) =	sbr.rel @p1 .LBB2_10-.Ltmp9, $4  }
0x16f: {  	s17 =	sadd.s32 $0xFFFFFFFC, s3;
	s14 =	sadd.s32 $0xFFFFFFFD, s3;
	s13 =	sadd.s32 $0xFFFFFFFE, s3;
	v21 =	vadd.f32 v21, v25;
	v13 =	vmov s3;
	v15 =	vadd.bf16 v24, v15  }
0x170: {  	s25 =	sadd.s32 $0xFFFFFFFF, s3;
	v23 =	vshll.u32 v22, $0x10;
	v22 =	vand.u32 $0xFFFF0000, v22;
	v25 =	vperm.xlane v26, v3  }
0x171: {  	v24 =	vshll.u32 v15, $0x10;
	v15 =	vand.u32 $0xFFFF0000, v15;
	v22 =	vadd.f32 v22, v23  }
0x172: {  	s2 =	sadd.s32 $0x140, s2;
	v23 =	vadd.f32 v15, v24;
	v24 =	vperm.xlane v21, v0;
	v15 =	vadd.f32 v26, v25  }
.LBB2_11:
0x173: {  	_ = 	snop  }
0x174: {  	v4 =	vperm.xlane v23, v0;
	_ =	sdelay $0x1  }
0x175: {  	v4 =	vadd.f32 v23, v4  }
0x176: {  	v5 =	vadd.f32 v18, v20;
	v6 =	vperm.xlane v22, v0  }
0x177: {  	v7 =	vadd.f32 v21, v24;
	v18 =	vperm.xlane v4, v1  }
0x178: {  	v20 =	vperm.xlane v5, v1;
	v6 =	vadd.f32 v22, v6  }
0x179: {  	v21 =	vperm.xlane v7, v1;
	v4 =	vadd.f32 v4, v18  }
0x17a: {  	v5 =	vadd.f32 v5, v20;
	v18 =	vperm.xlane v6, v1  }
0x17b: {  	v11 =	vadd.f32 @p0 v11, v16;
	v7 =	vadd.f32 v7, v21;
	v16 =	vperm.xlane v4, v2  }
0x17c: {  	v39 =	vmov s17;
	v40 =	vperm.xlane v5, v2;
	v6 =	vadd.f32 v6, v18  }
0x17d: {  	v12 =	vadd.f32 @p0 v12, v17;
	v4 =	vadd.f32 v4, v16;
	v16 =	vperm.xlane v7, v2  }
0x17e: {  	v14 =	vadd.f32 @p0 v14, v19;
	v5 =	vadd.f32 v5, v40;
	v17 =	vperm.xlane v6, v2  }
0x17f: {  	[tilespmem:v13+s23+$0x0] =	vst.idx.msk $0x1, v15;
	v13 =	vmov s14;
	v7 =	vadd.f32 v7, v16;
	v15 =	vperm.xlane v4, v3  }
0x180: {  	[tilespmem:v8+s23+$0x0] =	vst.idx.msk @p0 $0x1, v11;
	v8 =	vmov s13;
	v11 =	vperm.xlane v5, v3;
	v6 =	vadd.f32 v6, v17  }
0x181: {  	[tilespmem:v9+s23+$0x0] =	vst.idx.msk @p0 $0x1, v12;
	v9 =	vmov s25;
	v4 =	vadd.f32 v4, v15;
	v12 =	vperm.xlane v7, v3  }
0x182: {  	[tilespmem:v10+s23+$0x0] =	vst.idx.msk @p0 $0x1, v14;
	p0 =	seq.s32 s31, $0x1F;
	v5 =	vadd.f32 v5, v11;
	v10 =	vperm.xlane v6, v3  }
0x183: {  	s1 =	smul.u32 @!p0 $0x700, s31;
	[tilespmem:v39+s23+$0x0] =	vst.idx.msk $0x1, v4;
	v4 =	vadd.f32 v7, v12  }
0x184: {  	[tilespmem:v13+s23+$0x0] =	vst.idx.msk $0x1, v5;
	v6 =	vadd.f32 v6, v10  }
0x185: {  	s1 =	sshra.s32 @!p0 s1, $0x2;
	[tilespmem:v8+s23+$0x0] =	vst.idx.msk $0x1, v4  }
0x186: {  	s3 =	simm.s32 @!p0 $0x70;
	s7 =	simm.s32 @!p0 $0x5840;
	s2 =	sadd.s32 @!p0 $0x1C0, s1;
	[tilespmem:v9+s23+$0x0] =	vst.idx.msk $0x1, v6  }
0x187: {  	[tilespmem:s7], [sflag:$0x1] =	stream.indirect.gather @!p0 [hbm4b:s5+s3], $0x40, s2, s3, $0xb8;
	[tilespmem:$0x10440] =	vst v63  }
0x188: {  	s1 =	sadd.s32 @!p0 $0x230, s1;
	s2 =	simm.s32 @!p0 $0x7440  }
0x189: {  	[tilespmem:s2], [sflag:$0x1] =	stream.indirect.gather @!p0 [hbm4b:s5+s3], $0x40, s1, s3, $0xb8;
	[tilespmem:$0x10440] =	vst v63  }
0x18a: {  	_ =	swait.ge [sflag:s24], $0x1C00  }
0x18b: {  	[sflag:s24] =	ssyncset.done $0x0  }
0x18c: {  	[sflag:s24] =	ssyncadd.s32 $0xFFFFE400  }
0x18d: {  	_ =	swait.ge [sflag:s24], $0x1C00  }
0x18e: {  	s0 =	sshll.u32 s0, $0x7;
	[sflag:s24] =	ssyncset.done $0x0  }
0x18f: {  	s0 =	sand.u32 $0x3FFFFF80, s0;
	[sflag:s24] =	ssyncadd.s32 $0xFFFFE400  }
0x190: {  	v4 =	vld [tilespmem:s0+$0x3840]  }
0x191: {  	v5 =	vld [tilespmem:s0+$0x3880]  }
0x192: {  	v6 =	vld [tilespmem:s0+$0x3850]  }
0x193: {  	v7 =	vld [tilespmem:s0+$0x3890]  }
0x194: {  	v8 =	vld [tilespmem:s0+$0x3860]  }
0x195: {  	v9 =	vld [tilespmem:s0+$0x38A0]  }
0x196: {  	v10 =	vld [tilespmem:s0+$0x3870]  }
0x197: {  	s10 =	simm.s32 $0x90C0;
	v11 =	vld [tilespmem:s0+$0x38B0]  }
0x198: {  	v12 =	vld [tilespmem:s10+$0x40]  }
0x199: {  	v13 =	vld [tilespmem:s10+$0x50]  }
0x19a: {  	v14 =	vld [tilespmem:s10+$0x60]  }
0x19b: {  	v15 =	vld [tilespmem:s10+$0x70]  }
0x19c: {  	v16 =	vld [tilespmem:s10+$0xFFFFFF90]  }
0x19d: {  	v17 =	vld [tilespmem:s10+$0xFFFFFFA0]  }
0x19e: {  	v18 =	vld [tilespmem:s10+$0xFFFFFFB0]  }
0x19f: {  	v19 =	vld [tilespmem:s10+$0x30]  }
0x1a0: {  	v4 =	vpack.i.f32.bf16 v5, v4;
	v5 =	vpack.i.f32.bf16 v7, v6;
	v6 =	vpack.i.f32.bf16 v9, v8;
	v8 =	vld [tilespmem:s10+$0xFFFFFFC0]  }
0x1a1: {  	v7 =	vpack.i.f32.bf16 v11, v10;
	v11 =	vld [tilespmem:s10+$0xFFFFFFD0];
	v9 =	vmul.bf16 v12, v4;
	v10 =	vmul.bf16 v13, v5  }
0x1a2: {  	v12 =	vmul.bf16 v14, v6;
	v13 =	vmul.bf16 v15, v7;
	v14 =	vld [tilespmem:s10+$0xFFFFFFE0]  }
0x1a3: {  	v15 =	vld [tilespmem:s10+$0xFFFFFFF0]  }
0x1a4: {  	v9 =	vadd.bf16 v10, v9;
	v10 =	vadd.bf16 v13, v12;
	v12 =	vld [tilespmem:s10+$0x0]  }
0x1a5: {  	v16 =	vmul.bf16 v16, v5;
	v17 =	vmul.bf16 v17, v6;
	v13 =	vld [tilespmem:s10+$0x10]  }
0x1a6: {  	v18 =	vmul.bf16 v18, v7;
	v9 =	vadd.bf16 v10, v9;
	v10 =	vld [tilespmem:s10+$0x20];
	v8 =	vmul.bf16 v8, v4  }
0x1a7: {  	v42 =	vld [tilespmem:s10+$0xFFFFFF80];
	v11 =	vmul.bf16 v11, v5;
	v14 =	vmul.bf16 v14, v6  }
0x1a8: {  	s13 =	simm.s32 $0x91C0;
	v15 =	vmul.bf16 v15, v7;
	v41 =	vshll.u32 v9, $0x10;
	v9 =	vand.u32 $0xFFFF0000, v9  }
0x1a9: {  	v43 =	vld [tilespmem:s13+$0x70];
	v8 =	vadd.bf16 v11, v8;
	v9 =	vadd.f32 v9, v41;
	v12 =	vmul.bf16 v12, v4  }
0x1aa: {  	v48 =	vld [tilespmem:s13+$0xFFFFFFC0];
	v11 =	vmul.bf16 v13, v5;
	v14 =	vadd.bf16 v15, v14;
	v15 =	vmul.bf16 v19, v7  }
0x1ab: {  	v13 =	vperm.xlane v9, v0;
	v10 =	vmul.bf16 v10, v6  }
0x1ac: {  	v50 =	vld [tilespmem:s13+$0xFFFFFFE0];
	v11 =	vadd.bf16 v11, v12;
	v12 =	vmul.bf16 v42, v4;
	v8 =	vadd.bf16 v14, v8  }
0x1ad: {  	v9 =	vadd.f32 v9, v13;
	v10 =	vadd.bf16 v15, v10  }
0x1ae: {  	v27 =	vld [tilespmem:s13+$0xFFFFFFF0];
	v20 =	vmul.bf16 v43, v7;
	v13 =	vadd.bf16 v18, v17;
	v12 =	vadd.bf16 v16, v12  }
0x1af: {  	v53 =	vld [tilespmem:s13+$0x10];
	v22 =	vmul.bf16 v48, v4;
	v15 =	vshll.u32 v8, $0x10;
	v14 =	vperm.xlane v9, v1  }
0x1b0: {  	v8 =	vand.u32 $0xFFFF0000, v8;
	v10 =	vadd.bf16 v10, v11;
	v11 =	vadd.bf16 v13, v12  }
0x1b1: {  	v56 =	vld [tilespmem:s13+$0xFFFFFF80];
	v55 =	vmul.bf16 v50, v6;
	v8 =	vadd.f32 v8, v15;
	v9 =	vadd.f32 v9, v14  }
0x1b2: {  	v12 =	vshll.u32 v10, $0x10;
	v14 =	vshll.u32 v11, $0x10;
	v11 =	vand.u32 $0xFFFF0000, v11  }
0x1b3: {  	v18 =	vld [tilespmem:s13+$0x60];
	v10 =	vand.u32 $0xFFFF0000, v10;
	v11 =	vadd.f32 v11, v14;
	v13 =	vperm.xlane v9, v2  }
0x1b4: {  	s14 =	sadd.s32 $0xFFFFFFFC, s30;
	v27 =	vmul.bf16 v27, v7;
	v57 =	vmul.bf16 v53, v5;
	v10 =	vadd.f32 v10, v12;
	v12 =	vld [tilespmem:s13+$0x40]  }
0x1b5: {  	s25 =	sadd.s32 $0x25, s14;
	v14 =	vperm.xlane v8, v0;
	v17 =	vperm.xlane v11, v0;
	v9 =	vadd.f32 v9, v13;
	v13 =	vld [tilespmem:s13+$0x50]  }
0x1b6: {  	v44 =	vmov s25;
	v60 =	vmul.bf16 v56, v4;
	v16 =	vperm.xlane v10, v0  }
0x1b7: {  	s18 =	sadd.s32 $0x27, s14;
	v8 =	vadd.f32 v8, v14;
	v11 =	vadd.f32 v11, v17;
	v14 =	vperm.xlane v9, v3  }
0x1b8: {  	v47 =	vld [tilespmem:s13+$0xFFFFFFB0];
	v19 =	vmov s18;
	v18 =	vmul.bf16 v18, v6;
	v10 =	vadd.f32 v10, v16  }
0x1b9: {  	s17 =	sadd.s32 $0x24, s14;
	v45 =	vperm.xlane v8, v1;
	v46 =	vperm.xlane v11, v1;
	v14 =	vadd.f32 v9, v14;
	v9 =	vld [tilespmem:s13+$0xFFFFFFA0]  }
0x1ba: {  	v15 =	vmov s17;
	v12 =	vmul.bf16 v12, v4;
	v13 =	vmul.bf16 v13, v5  }
0x1bb: {  	v25 =	vperm.xlane v10, v1;
	v8 =	vadd.f32 v8, v45;
	v11 =	vadd.f32 v11, v46  }
0x1bc: {  	v49 =	vld [tilespmem:s13+$0xFFFFFFD0];
	v15 =	vand.u32 $0xFFFFFFFC, v15;
	v12 =	vadd.bf16 v13, v12;
	v13 =	vadd.bf16 v20, v18  }
0x1bd: {  	v10 =	vadd.f32 v10, v25;
	v52 =	vperm.xlane v8, v2;
	v26 =	vperm.xlane v11, v2  }
0x1be: {  	v51 =	vld [tilespmem:s13+$0x0];
	v18 =	vmul.bf16 v47, v7;
	v9 =	vmul.bf16 v9, v6;
	v12 =	vadd.bf16 v13, v12  }
0x1bf: {  	v28 =	vld [tilespmem:s13+$0x30];
	v54 =	vperm.xlane v10, v2;
	v24 =	vadd.f32 v8, v52;
	v11 =	vadd.f32 v11, v26  }
0x1c0: {  	v18 =	vadd.bf16 v18, v9;
	v9 =	vld [tilespmem:s13+$0x20];
	v8 =	vshll.u32 v12, $0x10;
	v12 =	vand.u32 $0xFFFF0000, v12  }
0x1c1: {  	s1 =	sadd.s32 $0x26, s14;
	v15 =	vbroadcast v15, $0x0;
	v16 =	vld [tilespmem:s13+$0xFFFFFF90];
	v13 =	vmul.bf16 v49, v5;
	v12 =	vadd.f32 v12, v8  }
0x1c2: {  	v17 =	vmov s1;
	v8 =	vadd.f32 v10, v54;
	v10 =	vperm.xlane v11, v3  }
0x1c3: {  	v20 =	vmul.bf16 v51, v4;
	v13 =	vadd.bf16 v13, v22;
	v58 =	vperm.xlane v12, v0  }
0x1c4: {  	v22 =	vadd.bf16 v27, v55;
	v29 =	vadd.f32 v11, v10;
	v10 =	vperm.xlane v24, v3  }
0x1c5: {  	v11 =	vmul.bf16 v28, v7;
	v59 =	vmul.bf16 v9, v6;
	v12 =	vadd.f32 v12, v58  }
0x1c6: {  	v16 =	vmul.bf16 v16, v5;
	v20 =	vadd.bf16 v57, v20;
	v13 =	vadd.bf16 v22, v13  }
0x1c7: {  	v61 =	vadd.bf16 v11, v59;
	v62 =	vperm.xlane v12, v1;
	v11 =	vadd.f32 v24, v10  }
0x1c8: {  	v10 =	vadd.bf16 v16, v60;
	v16 =	vshll.u32 v13, $0x10;
	v13 =	vand.u32 $0xFFFF0000, v13  }
0x1c9: {  	v21 =	vand.u32 $0xFFFFFFFD, v44;
	v17 =	vand.u32 $0xFFFFFFFE, v17;
	v13 =	vadd.f32 v13, v16  }
0x1ca: {  	v9 =	vperm.xlane v8, v3;
	v20 =	vadd.bf16 v61, v20;
	v63 =	vadd.f32 v12, v62  }
0x1cb: {  	v12 =	vbroadcast v21, $0x0;
	v18 =	vadd.bf16 v18, v10;
	v10 =	vbroadcast v17, $0x0  }
0x1cc: {  	s2 =	sadd.s32 $0x0, s30;
	[tilespmem:v19+s22+$0x0] =	vst.idx.msk $0x1, v14;
	v14 =	vshll.u32 v20, $0x10;
	v16 =	vand.u32 $0xFFFF0000, v20;
	v19 =	vperm.xlane v63, v2  }
0x1cd: {  	s7 =	sadd.s32 $0x24, s2;
	[tilespmem:v15+s22+$0x0] =	vst.idx.msk $0x1, v29;
	v15 =	vshll.u32 v18, $0x10;
	v17 =	vand.u32 $0xFFFF0000, v18;
	v16 =	vadd.f32 v16, v14  }
0x1ce: {  	s0 =	simm.s32 $0x4;
	s10 =	sadd.s32 $0x27, s2;
	s1 =	simm.s32 $0x92C0;
	v15 =	vadd.f32 v17, v15;
	v17 =	vperm.xlane v13, v0;
	v14 =	vadd.f32 v63, v19  }
.LBB2_12:
0x1cf: {  	v18 =	vld [tilespmem:s1+$0x40];
	v19 =	vmov s7;
	s3 =	sadd.s32 $0x25, s2;
	v20 =	vperm.xlane v16, v0;
	s7 =	sadd.s32 $0x26, s2;
	v21 =	vmov s10;
	s2 =	smov.u32 s0  }
0x1d0: {  	v22 =	vld [tilespmem:s1+$0x50];
	v23 =	vperm.xlane v15, v0;
	v13 =	vadd.f32 v13, v17;
	v17 =	vperm.xlane v14, v3  }
0x1d1: {  	v25 =	vmov s3;
	v24 =	vld [tilespmem:s1+$0x60];
	v16 =	vadd.f32 v16, v20;
	v20 =	vmov s7;
	[tilespmem:v12+s22+$0x0] =	vst.idx.msk $0x1, v11  }
0x1d2: {  	s0 =	sadd.s32 $0x4, s0;
	v11 =	vld [tilespmem:s1+$0x70];
	v12 =	vadd.f32 v15, v23;
	v15 =	vperm.xlane v13, v1;
	v14 =	vadd.f32 v14, v17  }
0x1d3: {  	p0 =	slt.u32 s0, $0x10;
	v19 =	vand.u32 $0xFFFFFFFC, v19;
	v23 =	vand.u32 $0xFFFFFFFD, v25;
	v17 =	vld [tilespmem:s1+$0xFFFFFF90];
	v25 =	vperm.xlane v16, v1  }
0x1d4: {  	v26 =	vld [tilespmem:s1+$0xFFFFFFA0];
	v27 =	vperm.xlane v12, v1;
	v13 =	vadd.f32 v13, v15;
	v15 =	vand.u32 $0xFFFFFFFE, v20;
	[tilespmem:v21+s22+$0x0] =	vst.idx.msk $0x1, v14  }
0x1d5: {  	v8 =	vadd.f32 v8, v9;
	v19 =	vbroadcast v19, $0x0;
	v14 =	vld [tilespmem:s1+$0xFFFFFFB0];
	v16 =	vadd.f32 v16, v25  }
0x1d6: {  	v18 =	vmul.bf16 v18, v4;
	v20 =	vmul.bf16 v22, v5;
	v9 =	vld [tilespmem:s1+$0xFFFFFFC0];
	v12 =	vadd.f32 v12, v27  }
0x1d7: {  	v22 =	vmul.bf16 v24, v6;
	v21 =	vld [tilespmem:s1+$0xFFFFFFD0];
	v11 =	vmul.bf16 v11, v7;
	[tilespmem:v10+s22+$0x0] =	vst.idx.msk $0x1, v8  }
0x1d8: {  	v10 =	vmul.bf16 v17, v5;
	v8 =	vld [tilespmem:s1+$0xFFFFFFE0];
	v17 =	vperm.xlane v12, v2  }
0x1d9: {  	v18 =	vadd.bf16 v20, v18;
	v24 =	vmul.bf16 v26, v6;
	v25 =	vld [tilespmem:s1+$0xFFFFFFF0];
	v11 =	vadd.bf16 v11, v22  }
0x1da: {  	v14 =	vmul.bf16 v14, v7;
	v20 =	vld [tilespmem:s1+$0x0];
	v12 =	vadd.f32 v12, v17;
	v17 =	vperm.xlane v13, v2  }
0x1db: {  	v9 =	vmul.bf16 v9, v4;
	v22 =	vld [tilespmem:s1+$0x10];
	v11 =	vadd.bf16 v11, v18;
	v18 =	vperm.xlane v16, v2  }
0x1dc: {  	v14 =	vadd.bf16 v14, v24;
	v21 =	vmul.bf16 v21, v5;
	v24 =	vld [tilespmem:s1+$0x20];
	v13 =	vadd.f32 v13, v17  }
0x1dd: {  	v17 =	vmul.bf16 v8, v6;
	v26 =	vld [tilespmem:s1+$0x30];
	v8 =	vshll.u32 v11, $0x10;
	v11 =	vand.u32 $0xFFFF0000, v11  }
0x1de: {  	v27 =	vld [tilespmem:s1+$0xFFFFFF80];
	v25 =	vmul.bf16 v25, v7;
	v9 =	vadd.bf16 v21, v9;
	v11 =	vadd.f32 v11, v8  }
0x1df: {  	v21 =	vperm.xlane v12, v3;
	v8 =	vadd.f32 v16, v18;
	v20 =	vmul.bf16 v20, v4  }
0x1e0: {  	v16 =	vadd.bf16 v25, v17;
	v17 =	vmul.bf16 v22, v5;
	v18 =	vperm.xlane v11, v0  }
0x1e1: {  	v12 =	vadd.f32 v12, v21;
	v21 =	vperm.xlane v13, v3;
	v22 =	vmul.bf16 v24, v6  }
0x1e2: {  	v24 =	vmul.bf16 v26, v7;
	v17 =	vadd.bf16 v17, v20;
	v18 =	vadd.f32 v11, v18  }
0x1e3: {  	v16 =	vadd.bf16 v16, v9;
	v9 =	vperm.xlane v8, v3;
	v20 =	vmul.bf16 v27, v4  }
0x1e4: {  	v11 =	vadd.f32 v13, v21;
	v22 =	vadd.bf16 v24, v22;
	v24 =	vperm.xlane v18, v1  }
0x1e5: {  	v13 =	vshll.u32 v16, $0x10;
	v16 =	vand.u32 $0xFFFF0000, v16;
	v10 =	vadd.bf16 v10, v20;
	[tilespmem:v19+s22+$0x0] =	vst.idx.msk $0x1, v12  }
.Ltmp10:
0x1e6: {  	v12 =	vbroadcast v23, $0x0;
	v17 =	vadd.bf16 v22, v17;
	v18 =	vadd.f32 v18, v24;
	(pc) =	sbr.rel @p0 .LBB2_12-.Ltmp10, $4  }
0x1e7: {  	v13 =	vadd.f32 v16, v13;
	v14 =	vadd.bf16 v14, v10;
	v10 =	vbroadcast v15, $0x0  }
0x1e8: {  	v15 =	vshll.u32 v17, $0x10;
	v16 =	vand.u32 $0xFFFF0000, v17;
	v19 =	vperm.xlane v18, v2  }
0x1e9: {  	s2 =	sadd.s32 s2, s30;
	v17 =	vshll.u32 v14, $0x10;
	v14 =	vand.u32 $0xFFFF0000, v14;
	v16 =	vadd.f32 v16, v15  }
0x1ea: {  	s7 =	sadd.s32 $0x24, s2;
	s10 =	sadd.s32 $0x27, s2;
	s1 =	sadd.s32 $0x100, s1;
	v15 =	vadd.f32 v14, v17;
	v17 =	vperm.xlane v13, v0;
	v14 =	vadd.f32 v18, v19  }
0x1eb: {  	v19 =	vperm.xlane v16, v0  }
0x1ec: {  	v18 =	vperm.xlane v15, v0;
	v13 =	vadd.f32 v13, v17  }
0x1ed: {  	v16 =	vadd.f32 v16, v19  }
0x1ee: {  	v15 =	vadd.f32 v15, v18;
	v20 =	vperm.xlane v13, v1  }
0x1ef: {  	v39 =	vmov s7;
	v40 =	vmov s10;
	v22 =	vperm.xlane v16, v1  }
0x1f0: {  	s1 =	sadd.s32 $0x26, s2;
	v8 =	vadd.f32 v8, v9;
	v17 =	vperm.xlane v15, v1;
	v13 =	vadd.f32 v13, v20  }
0x1f1: {  	s0 =	sadd.s32 $0x25, s2;
	v21 =	vperm.xlane v14, v3;
	v23 =	vmov s1;
	v16 =	vadd.f32 v16, v22  }
0x1f2: {  	v15 =	vadd.f32 v15, v17;
	v17 =	vmov s0;
	v42 =	vperm.xlane v13, v2  }
0x1f3: {  	v44 =	vand.u32 $0xFFFFFFFE, v23;
	v17 =	vand.u32 $0xFFFFFFFD, v17;
	v43 =	vperm.xlane v16, v2  }
0x1f4: {  	v41 =	vperm.xlane v15, v2;
	v13 =	vadd.f32 v13, v42;
	v17 =	vbroadcast v17, $0x0  }
0x1f5: {  	v18 =	vand.u32 $0xFFFFFFFC, v39;
	v46 =	vbroadcast v44, $0x0;
	v16 =	vadd.f32 v16, v43  }
0x1f6: {  	v18 =	vbroadcast v18, $0x0;
	v15 =	vadd.f32 v15, v41;
	v9 =	vperm.xlane v13, v3  }
0x1f7: {  	[tilespmem:v12+s22+$0x0] =	vst.idx.msk $0x1, v11;
	v14 =	vadd.f32 v14, v21;
	v12 =	vperm.xlane v16, v3  }
0x1f8: {  	[tilespmem:v10+s22+$0x0] =	vst.idx.msk $0x1, v8;
	v45 =	vperm.xlane v15, v3;
	v8 =	vadd.f32 v13, v9  }
0x1f9: {  	[tilespmem:v40+s22+$0x0] =	vst.idx.msk $0x1, v14;
	v9 =	vadd.f32 v16, v12  }
0x1fa: {  	v11 =	vadd.f32 v15, v45;
	[tilespmem:v17+s22+$0x0] =	vst.idx.msk $0x1, v8  }
0x1fb: {  	[tilespmem:v46+s22+$0x0] =	vst.idx.msk $0x1, v9  }
0x1fc: {  	s13 =	simm.s32 $0x96B0;
	[tilespmem:v18+s22+$0x0] =	vst.idx.msk $0x1, v11  }
0x1fd: {  	v8 =	vld [tilespmem:s13+$0xFFFFFFD0]  }
0x1fe: {  	v9 =	vld [tilespmem:s13+$0xFFFFFFE0]  }
0x1ff: {  	v10 =	vld [tilespmem:s13+$0xFFFFFFF0]  }
0x200: {  	v11 =	vld [tilespmem:s13+$0x0]  }
0x201: {  	v12 =	vld [tilespmem:s13+$0xFFFFFEA0]  }
0x202: {  	v13 =	vld [tilespmem:s13+$0xFFFFFEB0]  }
0x203: {  	v14 =	vld [tilespmem:s13+$0xFFFFFEC0]  }
0x204: {  	v15 =	vld [tilespmem:s13+$0xFFFFFED0]  }
0x205: {  	v16 =	vld [tilespmem:s13+$0xFFFFFEE0];
	v8 =	vmul.bf16 v8, v4;
	v9 =	vmul.bf16 v9, v5  }
0x206: {  	v17 =	vld [tilespmem:s13+$0xFFFFFEF0];
	v10 =	vmul.bf16 v10, v6;
	v11 =	vmul.bf16 v11, v7  }
0x207: {  	v18 =	vld [tilespmem:s13+$0xFFFFFF00]  }
0x208: {  	v19 =	vld [tilespmem:s13+$0xFFFFFF40];
	v8 =	vadd.bf16 v9, v8;
	v9 =	vadd.bf16 v11, v10  }
0x209: {  	v50 =	vld [tilespmem:s13+$0xFFFFFF80]  }
0x20a: {  	v14 =	vmul.bf16 v14, v7;
	v10 =	vld [tilespmem:s13+$0xFFFFFF10];
	v8 =	vadd.bf16 v9, v8  }
0x20b: {  	v15 =	vmul.bf16 v15, v4;
	v16 =	vmul.bf16 v16, v5;
	v11 =	vld [tilespmem:s13+$0xFFFFFF20]  }
0x20c: {  	v55 =	vld [tilespmem:s13+$0xFFFFFFC0];
	v17 =	vmul.bf16 v17, v6;
	v47 =	vshll.u32 v8, $0x10;
	v8 =	vand.u32 $0xFFFF0000, v8  }
0x20d: {  	v9 =	vmul.bf16 v12, v5;
	v12 =	vmul.bf16 v13, v6;
	v13 =	vld [tilespmem:s13+$0xFFFFFF30];
	v8 =	vadd.f32 v8, v47  }
0x20e: {  	v48 =	vld [tilespmem:s13+$0xFFFFFF50];
	v18 =	vmul.bf16 v18, v7;
	v19 =	vmul.bf16 v19, v7  }
0x20f: {  	v49 =	vld [tilespmem:s13+$0xFFFFFF60];
	v12 =	vadd.bf16 v14, v12;
	v14 =	vadd.bf16 v16, v15;
	v16 =	vperm.xlane v8, v0  }
0x210: {  	v17 =	vadd.bf16 v18, v17;
	v15 =	vld [tilespmem:s13+$0xFFFFFF70];
	v10 =	vmul.bf16 v10, v4;
	v11 =	vmul.bf16 v11, v5  }
0x211: {  	v52 =	vld [tilespmem:s13+$0xFFFFFFB0];
	v57 =	vmul.bf16 v55, v7;
	v18 =	vmul.bf16 v50, v7;
	v8 =	vadd.f32 v8, v16  }
0x212: {  	v51 =	vld [tilespmem:s13+$0xFFFFFF90];
	v13 =	vmul.bf16 v13, v6;
	v10 =	vadd.bf16 v11, v10;
	v11 =	vadd.bf16 v17, v14  }
0x213: {  	v14 =	vmul.bf16 v48, v4;
	v16 =	vld [tilespmem:s13+$0xFFFFFFA0];
	v53 =	vperm.xlane v8, v1  }
0x214: {  	v17 =	vmul.bf16 v49, v5;
	v13 =	vadd.bf16 v19, v13;
	v54 =	vshll.u32 v11, $0x10  }
0x215: {  	v24 =	vld [tilespmem:s13+$0xFFFFFE90];
	v11 =	vand.u32 $0xFFFF0000, v11;
	v15 =	vmul.bf16 v15, v6;
	v8 =	vadd.f32 v8, v53  }
0x216: {  	v14 =	vadd.bf16 v17, v14;
	v19 =	vmul.bf16 v52, v6;
	v11 =	vadd.f32 v11, v54  }
0x217: {  	v10 =	vadd.bf16 v13, v10;
	v13 =	vmul.bf16 v51, v4;
	v17 =	vperm.xlane v8, v2  }
0x218: {  	v15 =	vadd.bf16 v18, v15;
	v59 =	vperm.xlane v11, v0;
	v16 =	vmul.bf16 v16, v5  }
0x219: {  	s14 =	sadd.s32 $0x0, s29;
	v56 =	vshll.u32 v10, $0x10;
	v10 =	vand.u32 $0xFFFF0000, v10;
	v8 =	vadd.f32 v8, v17  }
0x21a: {  	s17 =	sadd.s32 $0xD5, s14;
	v14 =	vadd.bf16 v15, v14;
	v13 =	vadd.bf16 v16, v13;
	v16 =	vmul.bf16 v24, v4  }
0x21b: {  	v15 =	vmov s17;
	v17 =	vadd.bf16 v57, v19;
	v58 =	vperm.xlane v8, v3  }
0x21c: {  	v10 =	vadd.f32 v10, v56;
	v9 =	vadd.bf16 v9, v16;
	v16 =	vshll.u32 v14, $0x10  }
0x21d: {  	v14 =	vand.u32 $0xFFFF0000, v14;
	v13 =	vadd.bf16 v17, v13;
	v17 =	vadd.f32 v8, v58  }
0x21e: {  	v8 =	vadd.bf16 v12, v9;
	v9 =	vperm.xlane v10, v0;
	v12 =	vadd.f32 v14, v16  }
0x21f: {  	v14 =	vadd.f32 v11, v59;
	v11 =	vshll.u32 v13, $0x10;
	v13 =	vand.u32 $0xFFFF0000, v13  }
0x220: {  	p0 =	por $0x1, $0x1;
	v13 =	vadd.f32 v13, v11;
	v16 =	vshll.u32 v8, $0x10;
	v8 =	vand.u32 $0xFFFF0000, v8  }
.Ltmp11:
0x221: {  	s18 =	sadd.s32 $0xD0, s14;
	v60 =	vadd.f32 v10, v9;
	v9 =	vperm.xlane v12, v0;
	v16 =	vadd.f32 v8, v16;
	(pc) =	sbr.rel @!p0 .LBB2_15-.Ltmp11, $4  }
0x222: {  	v10 =	vperm.xlane v14, v1;
	v8 =	vmov s18;
	v61 =	vperm.xlane v13, v0  }
0x223: {  	s10 =	simm.s32 $0x0;
	s25 =	sadd.s32 $0xD2, s14;
	v63 =	vperm.xlane v60, v1;
	v11 =	vadd.f32 v12, v9;
	v62 =	vperm.xlane v16, v0  }
0x224: {  	s7 =	simm.s32 $0xACE0;
	s2 =	sadd.s32 $0xD3, s14;
	s1 =	simm.s32 $0x9830;
	[tilespmem:v15+s23+$0x0] =	vst.idx.msk $0x1, v17;
	v10 =	vadd.f32 v14, v10;
	v9 =	vmov s25;
	v12 =	vadd.f32 v13, v61  }
0x225: {  	s0 =	simm.s32 $0x12E;
	s13 =	sadd.s32 $0xD1, s14;
	s14 =	sadd.s32 $0xD4, s14;
	v13 =	vadd.f32 v60, v63;
	v15 =	vperm.xlane v11, v1;
	v14 =	vadd.f32 v16, v62  }
.LBB2_14:
0x226: {  	v16 =	vld [tilespmem:s1+$0xFFFFFFD0];
	v17 =	vperm.xlane v10, v2;
	v18 =	vperm.xlane v12, v1;
	v19 =	vmov s14  }
0x227: {  	v20 =	vld [tilespmem:s1+$0xFFFFFFE0];
	v21 =	vperm.xlane v14, v1;
	v22 =	vperm.xlane v13, v2;
	v11 =	vadd.f32 v11, v15  }
0x228: {  	v8 =	vand.u32 $0xFFFFFFFE, v8;
	s10 =	sadd.s32 $0x6, s10;
	v15 =	vld [tilespmem:s1+$0xFFFFFFF0];
	v10 =	vadd.f32 v10, v17;
	v12 =	vadd.f32 v12, v18  }
0x229: {  	s3 =	sadd.s32 $0x14, s10;
	v17 =	vld [tilespmem:s1+$0x0];
	v14 =	vadd.f32 v14, v21;
	v13 =	vadd.f32 v13, v22;
	v18 =	vperm.xlane v11, v2  }
0x22a: {  	v9 =	vand.u32 $0xFFFFFFFE, v9;
	p0 =	slt.u32 s3, $0x68;
	v21 =	vld [tilespmem:s1+$0xFFFFFEA0];
	v22 =	vperm.xlane v10, v3;
	v23 =	vperm.xlane v12, v2  }
0x22b: {  	v24 =	vld [tilespmem:s1+$0xFFFFFEB0];
	v25 =	vperm.xlane v14, v2;
	v26 =	vperm.xlane v13, v3;
	v11 =	vadd.f32 v11, v18  }
0x22c: {  	v19 =	vand.u32 $0xFFFFFFFE, v19;
	v18 =	vld [tilespmem:s1+$0xFFFFFEC0];
	v10 =	vadd.f32 v10, v22;
	v12 =	vadd.f32 v12, v23  }
0x22d: {  	v16 =	vmul.bf16 v16, v4;
	v20 =	vmul.bf16 v20, v5;
	v22 =	vld [tilespmem:s1+$0xFFFFFED0];
	v14 =	vadd.f32 v14, v25  }
0x22e: {  	v15 =	vmul.bf16 v15, v6;
	v13 =	vadd.f32 v13, v26;
	v23 =	vld [tilespmem:s1+$0xFFFFFEE0];
	v17 =	vmul.bf16 v17, v7  }
0x22f: {  	v27 =	vmov s13;
	v21 =	vmul.bf16 v21, v5;
	v25 =	vld [tilespmem:s1+$0xFFFFFEF0];
	v26 =	vperm.xlane v14, v3  }
0x230: {  	v16 =	vadd.bf16 v20, v16;
	v24 =	vmul.bf16 v24, v6;
	v28 =	vld [tilespmem:s1+$0xFFFFFF00];
	v15 =	vadd.bf16 v17, v15  }
0x231: {  	v20 =	vperm.xlane v11, v3;
	v17 =	vmul.bf16 v18, v7;
	v18 =	vld [tilespmem:s1+$0xFFFFFF10];
	v14 =	vadd.f32 v14, v26  }
0x232: {  	v22 =	vmul.bf16 v22, v4;
	v26 =	vld [tilespmem:s1+$0xFFFFFF20];
	v15 =	vadd.bf16 v15, v16;
	v16 =	vperm.xlane v12, v3  }
0x233: {  	v11 =	vadd.f32 v11, v20;
	v17 =	vadd.bf16 v17, v24;
	v23 =	vmul.bf16 v23, v5;
	v24 =	vld [tilespmem:s1+$0xFFFFFF30]  }
0x234: {  	v20 =	vmul.bf16 v25, v6;
	v25 =	vld [tilespmem:s1+$0xFFFFFF40];
	v29 =	vshll.u32 v15, $0x10;
	v15 =	vand.u32 $0xFFFF0000, v15;
	[tilespmem:v27+s23+$0x0] =	vst.idx.msk $0x1, v10  }
0x235: {  	v10 =	vmul.bf16 v28, v7;
	v22 =	vadd.bf16 v23, v22;
	v23 =	vld [tilespmem:s1+$0xFFFFFF50];
	v15 =	vadd.f32 v15, v29  }
0x236: {  	v8 =	vbroadcast v8, $0x0;
	v12 =	vadd.f32 v12, v16;
	v18 =	vmul.bf16 v18, v4;
	v27 =	vld [tilespmem:s1+$0xFFFFFF60]  }
0x237: {  	v10 =	vadd.bf16 v10, v20;
	v16 =	vmul.bf16 v26, v5;
	v20 =	vld [tilespmem:s1+$0xFFFFFF70];
	v26 =	vperm.xlane v15, v0  }
0x238: {  	v9 =	vbroadcast v9, $0x0;
	v29 =	vmov s2;
	v24 =	vmul.bf16 v24, v6;
	v28 =	vld [tilespmem:s1+$0xFFFFFF80]  }
0x239: {  	v25 =	vmul.bf16 v25, v7;
	v16 =	vadd.bf16 v16, v18;
	v18 =	vld [tilespmem:s1+$0xFFFFFF90];
	v15 =	vadd.f32 v15, v26  }
0x23a: {  	v19 =	vbroadcast v19, $0x0;
	v10 =	vadd.bf16 v10, v22;
	v22 =	vmul.bf16 v23, v4;
	v23 =	vld [tilespmem:s1+$0xFFFFFFA0]  }
0x23b: {  	v24 =	vadd.bf16 v25, v24;
	v25 =	vmul.bf16 v27, v5;
	v26 =	vld [tilespmem:s1+$0xFFFFFFB0];
	v27 =	vperm.xlane v15, v1  }
0x23c: {  	v30 =	vshll.u32 v10, $0x10;
	v10 =	vand.u32 $0xFFFF0000, v10;
	v20 =	vmul.bf16 v20, v6;
	v31 =	vld [tilespmem:s1+$0xFFFFFFC0];
	[tilespmem:v8+s23+$0x0] =	vst.idx.msk $0x1, v14  }
0x23d: {  	v8 =	vld [tilespmem:s1+$0xFFFFFE90];
	v14 =	vmul.bf16 v28, v7;
	v22 =	vadd.bf16 v25, v22;
	v15 =	vadd.f32 v15, v27  }
0x23e: {  	v10 =	vadd.f32 v10, v30;
	v16 =	vadd.bf16 v24, v16;
	v18 =	vmul.bf16 v18, v4  }
0x23f: {  	v14 =	vadd.bf16 v14, v20;
	v20 =	vmul.bf16 v23, v5;
	v23 =	vperm.xlane v15, v2  }
0x240: {  	s3 =	sadd.s32 s10, s29;
	v24 =	vshll.u32 v16, $0x10;
	v16 =	vand.u32 $0xFFFF0000, v16;
	v25 =	vmul.bf16 v26, v6;
	[tilespmem:v9+s23+$0x0] =	vst.idx.msk $0x1, v13  }
0x241: {  	s17 =	sadd.s32 $0xD0, s3;
	s18 =	sadd.s32 $0xD2, s3;
	s25 =	sadd.s32 $0xD5, s3;
	v9 =	vmul.bf16 v31, v7;
	v13 =	vadd.bf16 v20, v18;
	v15 =	vadd.f32 v15, v23  }
0x242: {  	s13 =	sadd.s32 $0xD1, s3;
	s14 =	sadd.s32 $0xD4, s3;
	s2 =	sadd.s32 $0xD3, s3;
	v14 =	vadd.bf16 v14, v22;
	v18 =	vmov s25;
	v8 =	vmul.bf16 v8, v4;
	[tilespmem:v29+s23+$0x0] =	vst.idx.msk $0x1, v11  }
0x243: {  	v11 =	vadd.f32 v16, v24;
	v9 =	vadd.bf16 v9, v25;
	v16 =	vperm.xlane v15, v3  }
0x244: {  	v20 =	vshll.u32 v14, $0x10;
	v14 =	vand.u32 $0xFFFF0000, v14;
	v8 =	vadd.bf16 v21, v8;
	[tilespmem:v19+s23+$0x0] =	vst.idx.msk $0x1, v12  }
0x245: {  	v12 =	vperm.xlane v10, v0;
	v9 =	vadd.bf16 v9, v13;
	v13 =	vadd.f32 v15, v16  }
0x246: {  	v14 =	vadd.f32 v14, v20;
	v15 =	vperm.xlane v11, v0;
	v8 =	vadd.bf16 v17, v8  }
0x247: {  	v10 =	vadd.f32 v10, v12;
	v12 =	vshll.u32 v9, $0x10;
	v9 =	vand.u32 $0xFFFF0000, v9;
	[tilespmem:v18+s23+$0x0] =	vst.idx.msk $0x1, v13  }
0x248: {  	v13 =	vshll.u32 v8, $0x10;
	v8 =	vand.u32 $0xFFFF0000, v8;
	v12 =	vadd.f32 v9, v12  }
.Ltmp12:
0x249: {  	v15 =	vadd.f32 v11, v15;
	v9 =	vperm.xlane v14, v0;
	v13 =	vadd.f32 v8, v13;
	(pc) =	sbr.rel @p0 .LBB2_14-.Ltmp12, $4  }
0x24a: {  	v16 =	vperm.xlane v10, v1;
	v8 =	vmov s17;
	v17 =	vperm.xlane v12, v0  }
0x24b: {  	v19 =	vperm.xlane v15, v1;
	v11 =	vadd.f32 v14, v9;
	v18 =	vperm.xlane v13, v0  }
0x24c: {  	v10 =	vadd.f32 v10, v16;
	v9 =	vmov s18;
	v12 =	vadd.f32 v12, v17  }
0x24d: {  	s1 =	sadd.s32 $0x180, s1;
	v14 =	vadd.f32 v13, v18;
	v13 =	vadd.f32 v15, v19;
	v15 =	vperm.xlane v11, v1  }
.LBB2_15:
0x24e: {  	_ = 	snop  }
0x24f: {  	v17 =	vperm.xlane v10, v2;
	v16 =	vperm.xlane v14, v1  }
0x250: {  	v18 =	vperm.xlane v12, v1;
	v8 =	vand.u32 $0xFFFFFFFE, v8;
	v9 =	vand.u32 $0xFFFFFFFE, v9  }
0x251: {  	v20 =	vperm.xlane v13, v2;
	v11 =	vadd.f32 v11, v15;
	v14 =	vadd.f32 v14, v16  }
0x252: {  	v8 =	vbroadcast v8, $0x0;
	v9 =	vbroadcast v9, $0x0;
	v10 =	vadd.f32 v10, v17  }
0x253: {  	v12 =	vadd.f32 v12, v18;
	v13 =	vadd.f32 v13, v20;
	v16 =	vperm.xlane v14, v2  }
0x254: {  	v19 =	vmov s14;
	v15 =	vperm.xlane v11, v2;
	v17 =	vperm.xlane v10, v3  }
0x255: {  	v18 =	vperm.xlane v12, v2;
	v20 =	vperm.xlane v13, v3;
	v14 =	vadd.f32 v14, v16  }
0x256: {  	v11 =	vadd.f32 v11, v15;
	v15 =	vand.u32 $0xFFFFFFFE, v19;
	v16 =	vmov s13  }
0x257: {  	v10 =	vadd.f32 v10, v17;
	v12 =	vadd.f32 v12, v18;
	v17 =	vperm.xlane v14, v3  }
0x258: {  	v18 =	vmov s2;
	v15 =	vbroadcast v15, $0x0;
	v13 =	vadd.f32 v13, v20  }
0x259: {  	v14 =	vadd.f32 v14, v17;
	v17 =	vperm.xlane v11, v3  }
0x25a: {  	v19 =	vperm.xlane v12, v3;
	[tilespmem:v9+s23+$0x0] =	vst.idx.msk $0x1, v13  }
0x25b: {  	[tilespmem:v16+s23+$0x0] =	vst.idx.msk $0x1, v10;
	v55 =	vadd.f32 v11, v17  }
0x25c: {  	[tilespmem:v8+s23+$0x0] =	vst.idx.msk $0x1, v14;
	v8 =	vadd.f32 v12, v19  }
0x25d: {  	[tilespmem:v18+s23+$0x0] =	vst.idx.msk $0x1, v55  }
0x25e: {  	[tilespmem:v15+s23+$0x0] =	vst.idx.msk $0x1, v8  }
0x25f: {  	v8 =	vld [tilespmem:s7+$0x60]  }
0x260: {  	v9 =	vld [tilespmem:s7+$0x70]  }
0x261: {  	v10 =	vld [tilespmem:s7+$0x80]  }
0x262: {  	v56 =	vld [tilespmem:s7+$0x90]  }
0x263: {  	v13 =	vld [tilespmem:s7+$0xFFFFFF80]  }
0x264: {  	v14 =	vld [tilespmem:s7+$0xFFFFFF90]  }
0x265: {  	v15 =	vld [tilespmem:s7+$0xFFFFFFA0]  }
0x266: {  	v16 =	vld [tilespmem:s7+$0xFFFFFFB0]  }
0x267: {  	v17 =	vld [tilespmem:s7+$0xFFFFFFC0];
	v8 =	vmul.bf16 v8, v4;
	v9 =	vmul.bf16 v9, v5  }
0x268: {  	v18 =	vld [tilespmem:s7+$0xFFFFFFD0];
	v10 =	vmul.bf16 v10, v6;
	v11 =	vmul.bf16 v56, v7;
	_ =	sdelay $0x1  }
0x269: {  	v58 =	vld [tilespmem:s7+$0xFFFFFFE0];
	v8 =	vadd.bf16 v9, v8;
	v57 =	vadd.bf16 v11, v10  }
0x26a: {  	v59 =	vld [tilespmem:s7+$0xFFFFFFF0];
	v60 =	vmul.bf16 v13, v6;
	v14 =	vmul.bf16 v14, v7  }
0x26b: {  	v19 =	vld [tilespmem:s7+$0x10];
	v15 =	vmul.bf16 v15, v4;
	v16 =	vmul.bf16 v16, v5;
	v8 =	vadd.bf16 v57, v8  }
0x26c: {  	v13 =	vld [tilespmem:s7+$0x0];
	v17 =	vmul.bf16 v17, v6;
	v18 =	vmul.bf16 v18, v7  }
0x26d: {  	v21 =	vld [tilespmem:s7+$0x20];
	v9 =	vadd.bf16 v14, v60;
	v20 =	vshll.u32 v8, $0x10;
	v8 =	vand.u32 $0xFFFF0000, v8  }
0x26e: {  	v14 =	vadd.bf16 v16, v15;
	v15 =	vld [tilespmem:s7+$0x40];
	v8 =	vadd.f32 v8, v20  }
0x26f: {  	v10 =	vmul.bf16 v58, v4;
	v17 =	vadd.bf16 v18, v17;
	v18 =	vld [tilespmem:s7+$0x50]  }
0x270: {  	v11 =	vmul.bf16 v59, v5;
	v20 =	vld [tilespmem:s7+$0x30];
	v16 =	vperm.xlane v8, v0  }
0x271: {  	v12 =	vld [tilespmem:s7+$0xFFFFFF70];
	v19 =	vmul.bf16 v19, v7;
	v61 =	vadd.bf16 v17, v14;
	v13 =	vmul.bf16 v13, v6  }
0x272: {  	v22 =	vld [tilespmem:s7+$0xFFFFFF60];
	v10 =	vadd.bf16 v11, v10;
	v8 =	vadd.f32 v8, v16  }
0x273: {  	v14 =	vmul.bf16 v21, v4;
	v11 =	vand.u32 $0xFFFF0000, v61;
	v13 =	vadd.bf16 v19, v13  }
0x274: {  	v19 =	vshll.u32 v61, $0x10;
	v15 =	vmul.bf16 v15, v6;
	v16 =	vperm.xlane v8, v1  }
0x275: {  	v10 =	vadd.bf16 v13, v10;
	v17 =	vmul.bf16 v20, v5;
	v20 =	vmul.bf16 v18, v7  }
0x276: {  	v12 =	vmul.bf16 v12, v5;
	v18 =	vadd.f32 v11, v19;
	v8 =	vadd.f32 v8, v16  }
0x277: {  	v14 =	vadd.bf16 v17, v14;
	v62 =	vadd.bf16 v20, v15;
	v16 =	vmul.bf16 v22, v4  }
0x278: {  	s25 =	sadd.s32 $0xFFFFFED2, s0;
	v15 =	vshll.u32 v10, $0x10;
	v10 =	vand.u32 $0xFFFF0000, v10;
	v13 =	vperm.xlane v8, v2  }
0x279: {  	p1 =	slt.u32 s25, $0x69;
	v21 =	vadd.f32 v10, v15;
	v12 =	vadd.bf16 v12, v16  }
.Ltmp13:
0x27a: {  	v11 =	vadd.bf16 v62, v14;
	v8 =	vadd.f32 v8, v13;
	(pc) =	sbr.rel @!p1 .LBB2_16-.Ltmp13, $4  }
0x27b: {  	v20 =	vperm.xlane v18, v0;
	v24 =	vperm.xlane v21, v0;
	v9 =	vadd.bf16 v9, v12  }
0x27c: {  	s1 =	sadd.s32 s0, s29;
	v63 =	vshll.u32 v11, $0x10;
	v11 =	vand.u32 $0xFFFF0000, v11;
	v12 =	vperm.xlane v8, v3  }
0x27d: {  	p0 =	por $0x0, $0x0;
	s14 =	sadd.s32 $0xFFFFFFFC, s1;
	s10 =	sadd.s32 $0xFFFFFFFE, s1;
	v22 =	vadd.f32 v11, v63;
	v14 =	vshll.u32 v9, $0x10;
	v9 =	vand.u32 $0xFFFF0000, v9  }
0x27e: {  	s2 =	sadd.s32 $0xFFFFFFFF, s1;
	s13 =	sadd.s32 $0xFFFFFFFD, s1;
	v13 =	vmov s1;
	s1 =	sadd.s32 $0x140, s7;
	v23 =	vadd.f32 v9, v14;
	v15 =	vadd.f32 v8, v12  }
0x27f: {  	v10 =	vld [tilespmem:s1+$0x60]  }
0x280: {  	v11 =	vld [tilespmem:s1+$0x70]  }
0x281: {  	v16 =	vld [tilespmem:s1+$0x80]  }
0x282: {  	v9 =	vperm.xlane v22, v0;
	v19 =	vld [tilespmem:s1+$0x90];
	v12 =	vperm.xlane v23, v0  }
0x283: {  	v8 =	vadd.f32 v18, v20;
	v14 =	vadd.f32 v21, v24;
	v20 =	vld [tilespmem:s1+$0xFFFFFF70]  }
0x284: {  	v25 =	vld [tilespmem:s1+$0xFFFFFF90];
	v18 =	vadd.f32 v22, v9;
	v12 =	vadd.f32 v23, v12  }
0x285: {  	v29 =	vld [tilespmem:s1+$0xFFFFFFC0];
	v17 =	vperm.xlane v8, v1;
	v9 =	vperm.xlane v14, v1  }
0x286: {  	v30 =	vld [tilespmem:s1+$0x0];
	v22 =	vmov s14;
	v21 =	vperm.xlane v18, v1;
	v24 =	vperm.xlane v12, v1  }
0x287: {  	v59 =	vld [tilespmem:s1+$0x50];
	v17 =	vadd.f32 v8, v17;
	v27 =	vmul.bf16 v10, v4;
	v28 =	vmul.bf16 v11, v5  }
0x288: {  	v60 =	vld [tilespmem:s1+$0xFFFFFF60];
	v8 =	vmov s13;
	v16 =	vmul.bf16 v16, v6;
	v19 =	vmul.bf16 v19, v7  }
0x289: {  	v14 =	vadd.f32 v14, v9;
	v20 =	vmul.bf16 v20, v5;
	v25 =	vmul.bf16 v25, v7  }
0x28a: {  	v23 =	vld [tilespmem:s1+$0xFFFFFF80];
	v29 =	vmul.bf16 v29, v6;
	v26 =	vperm.xlane v17, v2;
	v12 =	vadd.f32 v12, v24  }
0x28b: {  	v58 =	vmul.bf16 v30, v6;
	v18 =	vadd.f32 v18, v21;
	v21 =	vld [tilespmem:s1+$0xFFFFFFA0];
	v27 =	vadd.bf16 v28, v27  }
0x28c: {  	v24 =	vld [tilespmem:s1+$0xFFFFFFB0];
	v16 =	vadd.bf16 v19, v16;
	v11 =	vadd.f32 v17, v26;
	v17 =	vperm.xlane v12, v2  }
0x28d: {  	v9 =	vmov s10;
	v30 =	vmul.bf16 v59, v7;
	v62 =	vmul.bf16 v60, v4;
	v26 =	vld [tilespmem:s1+$0xFFFFFFD0]  }
0x28e: {  	v19 =	vld [tilespmem:s1+$0xFFFFFFE0];
	v16 =	vadd.bf16 v16, v27;
	v17 =	vadd.f32 v12, v17;
	v12 =	vperm.xlane v14, v2  }
0x28f: {  	v10 =	vmov s2;
	v23 =	vmul.bf16 v23, v6;
	v27 =	vperm.xlane v18, v2  }
0x290: {  	v57 =	vld [tilespmem:s1+$0xFFFFFFF0];
	[tilespmem:v13+s23+$0x0] =	vst.idx.msk $0x1, v15;
	v12 =	vadd.f32 v14, v12;
	v14 =	vshll.u32 v16, $0x10;
	v16 =	vand.u32 $0xFFFF0000, v16  }
0x291: {  	v23 =	vadd.bf16 v25, v23;
	v25 =	vld [tilespmem:s1+$0x10];
	v21 =	vmul.bf16 v21, v4;
	v32 =	vadd.f32 v16, v14  }
0x292: {  	v31 =	vld [tilespmem:s1+$0x20];
	v13 =	vadd.bf16 v20, v62;
	v24 =	vmul.bf16 v24, v5;
	v26 =	vmul.bf16 v26, v7  }
0x293: {  	v16 =	vmul.bf16 v19, v4;
	v19 =	vld [tilespmem:s1+$0x30];
	v14 =	vadd.f32 v18, v27;
	v27 =	vperm.xlane v32, v0  }
0x294: {  	s0 =	sadd.s32 $0x5, s0;
	v21 =	vadd.bf16 v24, v21;
	v24 =	vperm.xlane v17, v3;
	v18 =	vadd.bf16 v26, v29;
	v26 =	vld [tilespmem:s1+$0x40]  }
0x295: {  	s25 =	sadd.s32 s0, s29;
	v28 =	vmul.bf16 v57, v5;
	v23 =	vadd.bf16 v23, v13;
	v27 =	vadd.f32 v32, v27  }
0x296: {  	v13 =	vmov s25;
	v25 =	vmul.bf16 v25, v7;
	v24 =	vadd.f32 v17, v24  }
0x297: {  	v28 =	vadd.bf16 v28, v16;
	v16 =	vperm.xlane v11, v3;
	v61 =	vperm.xlane v27, v1  }
0x298: {  	v18 =	vadd.bf16 v18, v21;
	v21 =	vmul.bf16 v31, v4;
	v25 =	vadd.bf16 v25, v58  }
0x299: {  	v19 =	vmul.bf16 v19, v5;
	v26 =	vmul.bf16 v26, v6;
	v27 =	vadd.f32 v27, v61  }
0x29a: {  	v17 =	vperm.xlane v12, v3;
	[tilespmem:v22+s23+$0x0] =	vst.idx.msk $0x1, v24;
	v24 =	vshll.u32 v23, $0x10;
	v25 =	vadd.bf16 v25, v28  }
0x29b: {  	s3 =	sadd.s32 $0xFFFFFED2, s0;
	v21 =	vadd.bf16 v19, v21;
	v26 =	vadd.bf16 v30, v26;
	v63 =	vperm.xlane v27, v2  }
0x29c: {  	p1 =	slt.u32 s3, $0x69;
	v19 =	vshll.u32 v18, $0x10;
	v18 =	vand.u32 $0xFFFF0000, v18;
	v15 =	vshll.u32 v25, $0x10  }
.Ltmp14:
0x29d: {  	v25 =	vand.u32 $0xFFFF0000, v25;
	v26 =	vadd.bf16 v26, v21;
	v27 =	vadd.f32 v27, v63;
	(pc) =	sbr.rel @!p1 .LBB2_19-.Ltmp14, $4  }
0x29e: {  	v23 =	vand.u32 $0xFFFF0000, v23;
	v18 =	vadd.f32 v18, v19;
	v21 =	vadd.f32 v25, v15  }
0x29f: {  	v15 =	vshll.u32 v26, $0x10;
	v25 =	vand.u32 $0xFFFF0000, v26;
	v26 =	vperm.xlane v27, v3  }
0x2a0: {  	p0 =	por $0x1, $0x1;
	s14 =	sadd.s32 $0xFFFFFFFC, s25;
	s13 =	sadd.s32 $0xFFFFFFFD, s25;
	v23 =	vadd.f32 v23, v24;
	v20 =	vperm.xlane v18, v0;
	v22 =	vadd.f32 v25, v15  }
0x2a1: {  	s10 =	sadd.s32 $0xFFFFFFFE, s25;
	s2 =	sadd.s32 $0xFFFFFFFF, s25;
	s1 =	sadd.s32 $0x140, s1;
	v19 =	vperm.xlane v14, v3;
	v24 =	vperm.xlane v21, v0;
	v15 =	vadd.f32 v27, v26  }
.LBB2_18:
0x2a2: {  	v25 =	vld [tilespmem:s1+$0x60];
	v18 =	vadd.f32 v18, v20;
	v20 =	vperm.xlane v22, v0;
	v11 =	vadd.f32 v11, v16  }
0x2a3: {  	v27 =	vmov s14;
	v16 =	vld [tilespmem:s1+$0x70];
	v26 =	vperm.xlane v23, v0;
	v21 =	vadd.f32 v21, v24;
	[tilespmem:v13+s23+$0x0] =	vst.idx.msk $0x1, v15  }
0x2a4: {  	s0 =	sadd.s32 $0x5, s0;
	v12 =	vadd.f32 v12, v17;
	v13 =	vld [tilespmem:s1+$0x80];
	v15 =	vperm.xlane v18, v1;
	v20 =	vadd.f32 v22, v20  }
0x2a5: {  	v14 =	vadd.f32 v14, v19;
	s3 =	sadd.s32 $0xFFFFFED2, s0;
	v17 =	vld [tilespmem:s1+$0x90];
	v22 =	vadd.f32 v23, v26;
	v23 =	vperm.xlane v21, v1  }
0x2a6: {  	p1 =	slt.u32 s3, $0x69;
	v19 =	vld [tilespmem:s1+$0xFFFFFF70];
	v15 =	vadd.f32 v18, v15;
	v18 =	vperm.xlane v20, v1;
	[tilespmem:v8+s23+$0x0] =	vst.idx.msk $0x1, v11;
	v8 =	vmov s13  }
0x2a7: {  	v24 =	vld [tilespmem:s1+$0xFFFFFF80];
	v11 =	vperm.xlane v22, v1;
	v21 =	vadd.f32 v21, v23;
	[tilespmem:v9+s23+$0x0] =	vst.idx.msk $0x1, v12;
	v9 =	vmov s10  }
0x2a8: {  	v12 =	vld [tilespmem:s1+$0xFFFFFF90];
	v23 =	vperm.xlane v15, v2;
	v18 =	vadd.f32 v20, v18;
	[tilespmem:v10+s23+$0x0] =	vst.idx.msk $0x1, v14;
	v10 =	vmov s2  }
0x2a9: {  	v20 =	vmul.bf16 v25, v4;
	v16 =	vmul.bf16 v16, v5;
	v14 =	vld [tilespmem:s1+$0xFFFFFFA0];
	v22 =	vadd.f32 v22, v11  }
0x2aa: {  	v13 =	vmul.bf16 v13, v6;
	v25 =	vld [tilespmem:s1+$0xFFFFFFB0];
	v17 =	vmul.bf16 v17, v7;
	v11 =	vadd.f32 v15, v23  }
0x2ab: {  	v15 =	vmul.bf16 v19, v5;
	v19 =	vld [tilespmem:s1+$0xFFFFFFC0];
	v23 =	vperm.xlane v22, v2  }
0x2ac: {  	v16 =	vadd.bf16 v16, v20;
	v24 =	vmul.bf16 v24, v6;
	v26 =	vld [tilespmem:s1+$0xFFFFFFD0];
	v13 =	vadd.bf16 v17, v13  }
0x2ad: {  	v12 =	vmul.bf16 v12, v7;
	v17 =	vld [tilespmem:s1+$0xFFFFFFE0];
	v20 =	vadd.f32 v22, v23;
	v22 =	vperm.xlane v21, v2  }
0x2ae: {  	v14 =	vmul.bf16 v14, v4;
	v23 =	vld [tilespmem:s1+$0xFFFFFFF0];
	v13 =	vadd.bf16 v13, v16;
	v16 =	vperm.xlane v18, v2  }
0x2af: {  	v24 =	vadd.bf16 v12, v24;
	v25 =	vmul.bf16 v25, v5;
	v28 =	vld [tilespmem:s1+$0x0];
	v12 =	vadd.f32 v21, v22  }
0x2b0: {  	v19 =	vmul.bf16 v19, v6;
	v21 =	vld [tilespmem:s1+$0x10];
	v22 =	vshll.u32 v13, $0x10;
	v13 =	vand.u32 $0xFFFF0000, v13  }
0x2b1: {  	v26 =	vmul.bf16 v26, v7;
	v25 =	vadd.bf16 v25, v14;
	v29 =	vld [tilespmem:s1+$0x20];
	v13 =	vadd.f32 v13, v22  }
0x2b2: {  	v30 =	vperm.xlane v20, v3;
	v14 =	vadd.f32 v18, v16;
	v17 =	vmul.bf16 v17, v4;
	v22 =	vld [tilespmem:s1+$0x30]  }
0x2b3: {  	v18 =	vadd.bf16 v26, v19;
	v19 =	vmul.bf16 v23, v5;
	v23 =	vld [tilespmem:s1+$0x40];
	v26 =	vperm.xlane v13, v0  }
0x2b4: {  	v20 =	vadd.f32 v20, v30;
	v16 =	vperm.xlane v11, v3;
	v28 =	vmul.bf16 v28, v6;
	v31 =	vld [tilespmem:s1+$0x50]  }
0x2b5: {  	v30 =	vld [tilespmem:s1+$0xFFFFFF60];
	v21 =	vmul.bf16 v21, v7;
	v19 =	vadd.bf16 v19, v17;
	v13 =	vadd.f32 v13, v26  }
0x2b6: {  	v18 =	vadd.bf16 v18, v25;
	v17 =	vperm.xlane v12, v3;
	v25 =	vmul.bf16 v29, v4  }
0x2b7: {  	v21 =	vadd.bf16 v21, v28;
	v22 =	vmul.bf16 v22, v5;
	v26 =	vperm.xlane v13, v1  }
0x2b8: {  	v28 =	vshll.u32 v18, $0x10;
	v18 =	vand.u32 $0xFFFF0000, v18;
	v23 =	vmul.bf16 v23, v6;
	[tilespmem:v27+s23+$0x0] =	vst.idx.msk $0x1, v20  }
0x2b9: {  	v20 =	vmul.bf16 v31, v7;
	v22 =	vadd.bf16 v22, v25;
	v13 =	vadd.f32 v13, v26  }
0x2ba: {  	v18 =	vadd.f32 v18, v28;
	v21 =	vadd.bf16 v21, v19;
	v25 =	vmul.bf16 v30, v4  }
0x2bb: {  	v19 =	vperm.xlane v14, v3;
	v23 =	vadd.bf16 v20, v23;
	v26 =	vperm.xlane v13, v2  }
0x2bc: {  	v15 =	vadd.bf16 v15, v25;
	v25 =	vshll.u32 v21, $0x10;
	v21 =	vand.u32 $0xFFFF0000, v21  }
.Ltmp15:
0x2bd: {  	s2 =	sadd.s32 s0, s29;
	v20 =	vperm.xlane v18, v0;
	v22 =	vadd.bf16 v23, v22;
	v26 =	vadd.f32 v13, v26;
	(pc) =	sbr.rel @p1 .LBB2_18-.Ltmp15, $4  }
0x2be: {  	s14 =	sadd.s32 $0xFFFFFFFC, s2;
	s13 =	sadd.s32 $0xFFFFFFFD, s2;
	s10 =	sadd.s32 $0xFFFFFFFE, s2;
	v21 =	vadd.f32 v21, v25;
	v13 =	vmov s2;
	v15 =	vadd.bf16 v24, v15  }
0x2bf: {  	s2 =	sadd.s32 $0xFFFFFFFF, s2;
	v23 =	vshll.u32 v22, $0x10;
	v22 =	vand.u32 $0xFFFF0000, v22;
	v25 =	vperm.xlane v26, v3  }
0x2c0: {  	v24 =	vshll.u32 v15, $0x10;
	v15 =	vand.u32 $0xFFFF0000, v15;
	v22 =	vadd.f32 v22, v23  }
0x2c1: {  	s1 =	sadd.s32 $0x140, s1;
	v23 =	vadd.f32 v15, v24;
	v24 =	vperm.xlane v21, v0;
	v15 =	vadd.f32 v26, v25  }
.LBB2_19:
0x2c2: {  	_ = 	snop  }
0x2c3: {  	v4 =	vperm.xlane v23, v0  }
0x2c4: {  	v5 =	vadd.f32 v18, v20;
	v6 =	vperm.xlane v22, v0  }
0x2c5: {  	v4 =	vadd.f32 v23, v4  }
0x2c6: {  	v20 =	vperm.xlane v5, v1;
	v6 =	vadd.f32 v22, v6  }
0x2c7: {  	v7 =	vadd.f32 v21, v24;
	v50 =	vperm.xlane v4, v1  }
0x2c8: {  	v5 =	vadd.f32 v5, v20;
	v51 =	vperm.xlane v6, v1  }
0x2c9: {  	v21 =	vperm.xlane v7, v1;
	v4 =	vadd.f32 v4, v50  }
0x2ca: {  	v11 =	vadd.f32 @p0 v11, v16;
	v54 =	vperm.xlane v5, v2;
	v6 =	vadd.f32 v6, v51  }
0x2cb: {  	v12 =	vadd.f32 @p0 v12, v17;
	v7 =	vadd.f32 v7, v21;
	v52 =	vperm.xlane v4, v2  }
0x2cc: {  	v57 =	vmov s13;
	v5 =	vadd.f32 v5, v54;
	v56 =	vperm.xlane v6, v2  }
0x2cd: {  	v14 =	vadd.f32 @p0 v14, v19;
	v55 =	vperm.xlane v7, v2;
	v4 =	vadd.f32 v4, v52  }
0x2ce: {  	v53 =	vmov s14;
	[tilespmem:v8+s23+$0x0] =	vst.idx.msk @p0 $0x1, v11;
	v6 =	vadd.f32 v6, v56;
	v60 =	vperm.xlane v5, v3  }
0x2cf: {  	v61 =	vmov s2;
	s31 =	sadd.s32 $0x1, s31;
	[tilespmem:v9+s23+$0x0] =	vst.idx.msk @p0 $0x1, v12;
	v7 =	vadd.f32 v7, v55;
	v58 =	vperm.xlane v4, v3  }
0x2d0: {  	v59 =	vmov s10;
	[tilespmem:v10+s23+$0x0] =	vst.idx.msk @p0 $0x1, v14;
	p0 =	sne.s32 s31, $0x20;
	v63 =	vperm.xlane v6, v3;
	v5 =	vadd.f32 v5, v60  }
.Ltmp16:
0x2d1: {  	[tilespmem:v13+s23+$0x0] =	vst.idx.msk $0x1, v15;
	v62 =	vperm.xlane v7, v3;
	v4 =	vadd.f32 v4, v58;
	(pc) =	sbr.rel @p0 .LBB2_3-.Ltmp16, $4  }
.Ltmp17:
0x2d2: {  	v6 =	vadd.f32 v6, v63;
	[tilespmem:v57+s23+$0x0] =	vst.idx.msk $0x1, v5;
	(pc) =	sbr.rel @!p0 .LBB2_20-.Ltmp17, $4  }
0x2d3: {  	[tilespmem:v53+s23+$0x0] =	vst.idx.msk $0x1, v4;
	v4 =	vadd.f32 v7, v62  }
0x2d4: {  	[tilespmem:v61+s23+$0x0] =	vst.idx.msk $0x1, v6  }
0x2d5: {  	s30 =	sadd.s32 $0x40, s30;
	s29 =	sadd.s32 $0x1A0, s29;
	[tilespmem:v59+s23+$0x0] =	vst.idx.msk $0x1, v4  }
0x2d6: {  	_ = 	snop  }
.LBB2_8:
.Ltmp18:
0x2d7: {  	(pc) =	sbr.rel .LBB2_11-.Ltmp18, $2  }
0x2d8: {  	_ =	sdelay $0x2  }
0x2d9: {  	_ = 	snop  }
.LBB2_16:
.Ltmp19:
0x2da: {  	(pc) =	sbr.rel .LBB2_19-.Ltmp19, $2  }
0x2db: {  	_ =	sdelay $0x2  }
0x2dc: {  	_ = 	snop  }
.LBB2_22:
0x2dd: {  	_ =	sfence.sel $0x180000  }
0x2de: {  	[bflag:$0x0] =	sbarrier.arrive $0xFFFF  }
0x2df: {  	_ =	strace $0x90000047  }
0x2e0: {  	s0 =	stileid.u32;
	[bflag:$0x2] =	sbarrier.arrive $0xFFFF  }
0x2e1: {  	p0 =	sne.s32 s0, $0x0;
	s0 =	rddreg [dreg:$0x3]  }
0x2e2: {  	s0 =	sadd.s32 @!p0 $0x100000, s0  }
0x2e3: {  	[sflag:s0] =	ssyncadd.tile.s32 @!p0 $0x1;
	_ =	shalt  }
.Lfunc_end2:
_tile_overlayer_lowered:
.L_overlay_start_2:
0x2e4: {  	(tag) =	ssettag $0x2  }
0x2e5: {  	s0 =	rddreg [dreg:$0x0];
	s2 =	stileid.u32  }
0x2e6: {  	s1 =	rddreg [dreg:$0x1];
	p0 =	sne.s32 s2, $0x0  }
0x2e7: {  	s3 =	rddreg [dreg:$0x2];
	[bflag:$0x3] =	sbarrier.arrive $0xFFFF;
	s2 =	simm.s32 @!p0 $0x1C04  }
0x2e8: {  	[timem:s3], [sflag:s2] =	dma.local @!p0 [hbm:s0], s1  }
0x2e9: {  	s0 =	simm.s32 @!p0 $0x4  }
0x2ea: {  	_ =	swait.ge @!p0 [sflag:s0], s1  }
0x2eb: {  	s1 =	ssub.s32 @!p0 $0x0, s1;
	[sflag:s0] =	ssyncset.done @!p0 $0x0  }
0x2ec: {  	[sflag:s0] =	ssyncadd.s32 @!p0 s1  }
0x2ed: {  	[bflag:$0x3] =	sbarrier.arrive $0xFFFF  }
0x2ee: {  	_ =	shalt  }

</sc_bundles>
